<compile_context>
chip_gen: v7x
topology: tpu7x:2x2x1
jax: 0.10.2.dev20260603
libtpu: 0.0.44.dev20260713+nightly
codegen_flags: <defaults>
</compile_context>

<pallas_src>
import functools

import jax
import jax.numpy as jnp
from jax import lax
from jax.experimental import pallas as pl
from jax.experimental.pallas import tpu as pltpu
from jax.experimental.pallas import tpu_sc as plsc

_G = 2


def _wpe_sc_body(ids_hbm, wts_hbm, out_hbm, ids_v, wts_v, row_v, *,
                 E, M, topk, n_workers):
    wid = lax.axis_index("s") * 2 + lax.axis_index("c")
    pltpu.sync_copy(ids_hbm, ids_v)
    pltpu.sync_copy(wts_hbm, wts_v)
    e_per_w = E // n_workers
    for local in range(e_per_w):
        e = wid * e_per_w + local
        for mc in range(M // 16):
            acc = jnp.zeros((16,), jnp.float32)
            for t in range(topk):
                idv = ids_v[pl.ds(t * M + mc * 16, 16)]
                wtv = wts_v[pl.ds(t * M + mc * 16, 16)]
                acc = acc + jnp.where(idv == e, wtv, 0.0)
            row_v[pl.ds(mc * 16, 16)] = acc
        pltpu.sync_copy(row_v, out_hbm.at[e])


def _combine_weights_sc(topk_ids, topk_weights, E):
    M, topk = topk_ids.shape
    n_workers = 32
    mesh = plsc.VectorSubcoreMesh(core_axis_name="c", subcore_axis_name="s")
    fn = functools.partial(
        pl.kernel,
        functools.partial(_wpe_sc_body, E=E, M=M, topk=topk,
                          n_workers=n_workers),
        out_type=jax.ShapeDtypeStruct((E, M), jnp.float32),
        mesh=mesh,
        scratch_types=[
            pltpu.VMEM((M * topk,), jnp.int32),
            pltpu.VMEM((M * topk,), jnp.float32),
            pltpu.VMEM((M,), jnp.float32),
        ],
    )()
    return fn(topk_ids.T.reshape(-1), topk_weights.T.reshape(-1))


def _moe_step(wpe_ref, x_ref, w1g_ref, w1u_ref, w2_ref, out_ref, *, N, G):
    i = pl.program_id(0)
    x = x_ref[...]
    M = x.shape[0]
    ident = (lax.broadcasted_iota(jnp.int32, (M, M), 0)
             == lax.broadcasted_iota(jnp.int32, (M, M), 1)).astype(jnp.float32)
    contrib = None
    for g in range(G):
        gate = jax.lax.dot_general(
            x, w1g_ref[g], (((1,), (1,)), ((), ())),
            preferred_element_type=jnp.float32,
        )
        up = jax.lax.dot_general(
            x, w1u_ref[g], (((1,), (1,)), ((), ())),
            preferred_element_type=jnp.float32,
        )
        act = gate * jax.lax.logistic(gate) * up
        row = wpe_ref[0, g, :].reshape(1, M)
        col = jax.lax.dot_general(
            ident, row, (((1,), (1,)), ((), ())),
            preferred_element_type=jnp.float32,
        )
        act = act * col
        c = jax.lax.dot_general(
            act, w2_ref[g], (((1,), (1,)), ((), ())),
            preferred_element_type=jnp.float32,
        )
        contrib = c if contrib is None else contrib + c

    @pl.when(i == 0)
    def _init():
        out_ref[...] = contrib

    @pl.when(i != 0)
    def _acc():
        out_ref[...] += contrib


def kernel(hidden_states, w1, w2, topk_weights, topk_ids):
    M, K = hidden_states.shape
    E, twoN, _ = w1.shape
    N = twoN // 2
    G = _G
    grid = (E // G,)
    wpe = _combine_weights_sc(topk_ids, topk_weights, E)
    wpe3 = wpe.reshape(E // G, G, M)
    out = pl.pallas_call(
        functools.partial(_moe_step, N=N, G=G),
        grid=grid,
        in_specs=[
            pl.BlockSpec((1, G, M), lambda i: (i, 0, 0)),
            pl.BlockSpec((M, K), lambda i: (0, 0)),
            pl.BlockSpec((G, N, K), lambda i: (i, 0, 0)),
            pl.BlockSpec((G, N, K), lambda i: (i, 1, 0)),
            pl.BlockSpec((G, K, N), lambda i: (i, 0, 0)),
        ],
        out_specs=pl.BlockSpec((M, K), lambda i: (0, 0)),
        out_shape=jax.ShapeDtypeStruct((M, K), hidden_states.dtype),
    )(wpe3, hidden_states, w1, w1, w2)
    return out

# --- scband reference (transcript-rebuilt; emitter-appended) ---
"""Pipeline reference for scband-fused-mo-emodular-kernel-10350871183626 (READ-ONLY COPY).

The authoritative reference and input builder live on the scoring server;
editing this copy changes nothing except your own understanding.
"""

import jax, jax.numpy as jnp
import numpy as np


def setup_inputs(seed: int = 0) -> dict:
    key = jax.random.key(seed)
    k1, k2, k3, k4, k5 = jax.random.split(key, 5)
    M, K, N, E, topk = 128, 1024, 512, 64, 8
    hidden_states = jax.random.normal(k1, (M, K), dtype=jnp.float32)
    w1 = jax.random.normal(k2, (E, 2 * N, K), dtype=jnp.float32) * 0.02
    w2 = jax.random.normal(k3, (E, K, N), dtype=jnp.float32) * 0.02
    topk_weights = jax.random.uniform(k4, (M, topk), dtype=jnp.float32)
    topk_ids = jax.random.randint(k5, (M, topk), 0, E).astype(jnp.int32)
    return {
        "hidden_states": hidden_states,
        "w1": w1,
        "w2": w2,
        "topk_weights": topk_weights,
        "topk_ids": topk_ids,
    }


def reference(hidden_states, w1, w2, topk_weights, topk_ids):
    # Faithful fused-MoE semantics (vLLM FusedMoEModularKernel):
    # dispatch tokens to top-k experts, per-expert gated MLP
    # (silu activation on gate half), unpermute/combine with topk_weights.
    # Implemented densely over experts (exact, no token dropping):
    # the per-(token, slot) result equals x @ w1[e].T -> silu-gate -> @ w2[e].T.
    E = w1.shape[0]
    N = w2.shape[2]
    # per-expert first GEMM over all tokens: [E, M, 2N]
    h = jnp.einsum('mk,enk->emn', hidden_states, w1)
    gate = h[..., :N]
    up = h[..., N:]
    act = jax.nn.silu(gate) * up  # activation='silu' (SwiGLU)
    # second GEMM back to model dim: [E, M, K]
    expert_out = jnp.einsum('emn,ekn->emk', act, w2)
    # combine: out[m] = sum_t topk_weights[m,t] * expert_out[topk_ids[m,t], m]
    onehot = jax.nn.one_hot(topk_ids, E, dtype=topk_weights.dtype)  # [M, topk, E]
    weight_per_expert = jnp.einsum('mt,mte->em', topk_weights, onehot)  # [E, M]
    out = jnp.einsum('em,emk->mk', weight_per_expert, expert_out)
    return out.astype(hidden_states.dtype)


if False:  # reference __main__ guard neutralized (emitter)
    inp = setup_inputs()
    out = reference(**inp)
    print(out.shape, out.dtype)

if __name__ == "__main__":
    import jax
    _d = setup_inputs()
    print(jax.jit(kernel)(*tuple(_d.values())))

</pallas_src>

<mosaic_0001>
#map = affine_map<(d0, d1) -> (0)>
#map1 = affine_map<(d0, d1) -> (0, 0)>
module attributes {stable_mosaic.version = 14 : i64} {
  func.func @_wpe_sc_body(%arg0: i32, %arg1: i32, %arg2: memref<1024xi32, #tpu.memory_space<hbm>>, %arg3: memref<1024xf32, #tpu.memory_space<hbm>>, %arg4: memref<64x128xf32, #tpu.memory_space<hbm>>, %arg5: memref<1024xi32, #tpu.memory_space<vmem>>, %arg6: memref<1024xf32, #tpu.memory_space<vmem>>, %arg7: memref<128xf32, #tpu.memory_space<vmem>>) attributes {dimension_semantics = [#tpu.dimension_semantics<core_parallel>, #tpu.dimension_semantics<subcore_parallel>], iteration_bounds = array<i64: 2, 16>, scalar_prefetch = 0 : i64, scratch_operands = 3 : i64, tpu.core_type = #tpu.core_type<sc_vector_subcore>, window_params = [{transform_indices = #map}, {transform_indices = #map}, {transform_indices = #map1}]} {
    %mul3A = arith.constant 2 : i32
    %mul3A_0 = arith.muli %arg1, %mul3A : i32
    %add3A = arith.addi %mul3A_0, %arg0 : i32
    "tpu.region"() ({
      %run_scoped3A = tpu.sem_alloc : memref<!tpu.dma_semaphore, #tpu.memory_space<semaphore_mem>>
      tpu.enqueue_dma source(%arg2 : memref<1024xi32, #tpu.memory_space<hbm>>) target(%arg5 : memref<1024xi32, #tpu.memory_space<vmem>>) target_semaphore(%run_scoped3A : memref<!tpu.dma_semaphore, #tpu.memory_space<semaphore_mem>>)
      tpu.wait_dma2 semaphore(%run_scoped3A : memref<!tpu.dma_semaphore, #tpu.memory_space<semaphore_mem>>) src(%arg2 : memref<1024xi32, #tpu.memory_space<hbm>>) dst(%arg5 : memref<1024xi32, #tpu.memory_space<vmem>>)
      tpu.yield
    }) : () -> ()
    "tpu.region"() ({
      %run_scoped3A = tpu.sem_alloc : memref<!tpu.dma_semaphore, #tpu.memory_space<semaphore_mem>>
      tpu.enqueue_dma source(%arg3 : memref<1024xf32, #tpu.memory_space<hbm>>) target(%arg6 : memref<1024xf32, #tpu.memory_space<vmem>>) target_semaphore(%run_scoped3A : memref<!tpu.dma_semaphore, #tpu.memory_space<semaphore_mem>>)
      tpu.wait_dma2 semaphore(%run_scoped3A : memref<!tpu.dma_semaphore, #tpu.memory_space<semaphore_mem>>) src(%arg3 : memref<1024xf32, #tpu.memory_space<hbm>>) dst(%arg6 : memref<1024xf32, #tpu.memory_space<vmem>>)
      tpu.yield
    }) : () -> ()
    %mul3A_1 = arith.constant 2 : i32
    %mul3A_2 = arith.muli %add3A, %mul3A_1 : i32
    %add3A_3 = arith.constant 0 : i32
    %add3A_4 = arith.addi %mul3A_2, %add3A_3 : i32
    %broadcast_in_dim3A = arith.constant 0.000000e+00 : f32
    %broadcast_in_dim3A_5 = vector.broadcast %broadcast_in_dim3A : f32 to vector<16xf32>
    %get3A = arith.constant 0 : index
    %get3A_6 = tpu.vector_load %arg5[%get3A] {strides = array<i32>} : memref<1024xi32, #tpu.memory_space<vmem>>, vector<16xi32>,
    %get3A_7 = vector.shape_cast %get3A_6 : vector<16xi32> to vector<16xi32>
    %get3A_8 = arith.constant 0 : index
    %get3A_9 = tpu.vector_load %arg6[%get3A_8] {strides = array<i32>} : memref<1024xf32, #tpu.memory_space<vmem>>, vector<16xf32>,
    %get3A_10 = vector.shape_cast %get3A_9 : vector<16xf32> to vector<16xf32>
    %eq3A = vector.broadcast %add3A_4 : i32 to vector<16xi32>
    %eq3A_11 = arith.cmpi eq, %get3A_7, %eq3A : vector<16xi32>
    %jit3A = arith.constant 0.000000e+00 : f32
    %broadcast_in_dim3A_12 = vector.broadcast %jit3A : f32 to vector<16xf32>
    %select_n3A = arith.select %eq3A_11, %get3A_10, %broadcast_in_dim3A_12 : vector<16xi1>, vector<16xf32>
    %add3A_13 = arith.addf %broadcast_in_dim3A_5, %select_n3A : vector<16xf32>
    %get3A_14 = arith.constant 128 : index
    %get3A_15 = tpu.vector_load %arg5[%get3A_14] {strides = array<i32>} : memref<1024xi32, #tpu.memory_space<vmem>>, vector<16xi32>,
    %get3A_16 = vector.shape_cast %get3A_15 : vector<16xi32> to vector<16xi32>
    %get3A_17 = arith.constant 128 : index
    %get3A_18 = tpu.vector_load %arg6[%get3A_17] {strides = array<i32>} : memref<1024xf32, #tpu.memory_space<vmem>>, vector<16xf32>,
    %get3A_19 = vector.shape_cast %get3A_18 : vector<16xf32> to vector<16xf32>
    %eq3A_20 = vector.broadcast %add3A_4 : i32 to vector<16xi32>
    %eq3A_21 = arith.cmpi eq, %get3A_16, %eq3A_20 : vector<16xi32>
    %jit3A_22 = arith.constant 0.000000e+00 : f32
    %broadcast_in_dim3A_23 = vector.broadcast %jit3A_22 : f32 to vector<16xf32>
    %select_n3A_24 = arith.select %eq3A_21, %get3A_19, %broadcast_in_dim3A_23 : vector<16xi1>, vector<16xf32>
    %add3A_25 = arith.addf %add3A_13, %select_n3A_24 : vector<16xf32>
    %get3A_26 = arith.constant 256 : index
    %get3A_27 = tpu.vector_load %arg5[%get3A_26] {strides = array<i32>} : memref<1024xi32, #tpu.memory_space<vmem>>, vector<16xi32>,
    %get3A_28 = vector.shape_cast %get3A_27 : vector<16xi32> to vector<16xi32>
    %get3A_29 = arith.constant 256 : index
    %get3A_30 = tpu.vector_load %arg6[%get3A_29] {strides = array<i32>} : memref<1024xf32, #tpu.memory_space<vmem>>, vector<16xf32>,
    %get3A_31 = vector.shape_cast %get3A_30 : vector<16xf32> to vector<16xf32>
    %eq3A_32 = vector.broadcast %add3A_4 : i32 to vector<16xi32>
    %eq3A_33 = arith.cmpi eq, %get3A_28, %eq3A_32 : vector<16xi32>
    %jit3A_34 = arith.constant 0.000000e+00 : f32
    %broadcast_in_dim3A_35 = vector.broadcast %jit3A_34 : f32 to vector<16xf32>
    %select_n3A_36 = arith.select %eq3A_33, %get3A_31, %broadcast_in_dim3A_35 : vector<16xi1>, vector<16xf32>
    %add3A_37 = arith.addf %add3A_25, %select_n3A_36 : vector<16xf32>
    %get3A_38 = arith.constant 384 : index
    %get3A_39 = tpu.vector_load %arg5[%get3A_38] {strides = array<i32>} : memref<1024xi32, #tpu.memory_space<vmem>>, vector<16xi32>,
    %get3A_40 = vector.shape_cast %get3A_39 : vector<16xi32> to vector<16xi32>
    %get3A_41 = arith.constant 384 : index
    %get3A_42 = tpu.vector_load %arg6[%get3A_41] {strides = array<i32>} : memref<1024xf32, #tpu.memory_space<vmem>>, vector<16xf32>,
    %get3A_43 = vector.shape_cast %get3A_42 : vector<16xf32> to vector<16xf32>
    %eq3A_44 = vector.broadcast %add3A_4 : i32 to vector<16xi32>
    %eq3A_45 = arith.cmpi eq, %get3A_40, %eq3A_44 : vector<16xi32>
    %jit3A_46 = arith.constant 0.000000e+00 : f32
    %broadcast_in_dim3A_47 = vector.broadcast %jit3A_46 : f32 to vector<16xf32>
    %select_n3A_48 = arith.select %eq3A_45, %get3A_43, %broadcast_in_dim3A_47 : vector<16xi1>, vector<16xf32>
    %add3A_49 = arith.addf %add3A_37, %select_n3A_48 : vector<16xf32>
    %get3A_50 = arith.constant 512 : index
    %get3A_51 = tpu.vector_load %arg5[%get3A_50] {strides = array<i32>} : memref<1024xi32, #tpu.memory_space<vmem>>, vector<16xi32>,
    %get3A_52 = vector.shape_cast %get3A_51 : vector<16xi32> to vector<16xi32>
    %get3A_53 = arith.constant 512 : index
    %get3A_54 = tpu.vector_load %arg6[%get3A_53] {strides = array<i32>} : memref<1024xf32, #tpu.memory_space<vmem>>, vector<16xf32>,
    %get3A_55 = vector.shape_cast %get3A_54 : vector<16xf32> to vector<16xf32>
    %eq3A_56 = vector.broadcast %add3A_4 : i32 to vector<16xi32>
    %eq3A_57 = arith.cmpi eq, %get3A_52, %eq3A_56 : vector<16xi32>
    %jit3A_58 = arith.constant 0.000000e+00 : f32
    %broadcast_in_dim3A_59 = vector.broadcast %jit3A_58 : f32 to vector<16xf32>
    %select_n3A_60 = arith.select %eq3A_57, %get3A_55, %broadcast_in_dim3A_59 : vector<16xi1>, vector<16xf32>
    %add3A_61 = arith.addf %add3A_49, %select_n3A_60 : vector<16xf32>
    %get3A_62 = arith.constant 640 : index
    %get3A_63 = tpu.vector_load %arg5[%get3A_62] {strides = array<i32>} : memref<1024xi32, #tpu.memory_space<vmem>>, vector<16xi32>,
    %get3A_64 = vector.shape_cast %get3A_63 : vector<16xi32> to vector<16xi32>
    %get3A_65 = arith.constant 640 : index
    %get3A_66 = tpu.vector_load %arg6[%get3A_65] {strides = array<i32>} : memref<1024xf32, #tpu.memory_space<vmem>>, vector<16xf32>,
    %get3A_67 = vector.shape_cast %get3A_66 : vector<16xf32> to vector<16xf32>
    %eq3A_68 = vector.broadcast %add3A_4 : i32 to vector<16xi32>
    %eq3A_69 = arith.cmpi eq, %get3A_64, %eq3A_68 : vector<16xi32>
    %jit3A_70 = arith.constant 0.000000e+00 : f32
    %broadcast_in_dim3A_71 = vector.broadcast %jit3A_70 : f32 to vector<16xf32>
    %select_n3A_72 = arith.select %eq3A_69, %get3A_67, %broadcast_in_dim3A_71 : vector<16xi1>, vector<16xf32>
    %add3A_73 = arith.addf %add3A_61, %select_n3A_72 : vector<16xf32>
    %get3A_74 = arith.constant 768 : index
    %get3A_75 = tpu.vector_load %arg5[%get3A_74] {strides = array<i32>} : memref<1024xi32, #tpu.memory_space<vmem>>, vector<16xi32>,
    %get3A_76 = vector.shape_cast %get3A_75 : vector<16xi32> to vector<16xi32>
    %get3A_77 = arith.constant 768 : index
    %get3A_78 = tpu.vector_load %arg6[%get3A_77] {strides = array<i32>} : memref<1024xf32, #tpu.memory_space<vmem>>, vector<16xf32>,
    %get3A_79 = vector.shape_cast %get3A_78 : vector<16xf32> to vector<16xf32>
    %eq3A_80 = vector.broadcast %add3A_4 : i32 to vector<16xi32>
    %eq3A_81 = arith.cmpi eq, %get3A_76, %eq3A_80 : vector<16xi32>
    %jit3A_82 = arith.constant 0.000000e+00 : f32
    %broadcast_in_dim3A_83 = vector.broadcast %jit3A_82 : f32 to vector<16xf32>
    %select_n3A_84 = arith.select %eq3A_81, %get3A_79, %broadcast_in_dim3A_83 : vector<16xi1>, vector<16xf32>
    %add3A_85 = arith.addf %add3A_73, %select_n3A_84 : vector<16xf32>
    %get3A_86 = arith.constant 896 : index
    %get3A_87 = tpu.vector_load %arg5[%get3A_86] {strides = array<i32>} : memref<1024xi32, #tpu.memory_space<vmem>>, vector<16xi32>,
    %get3A_88 = vector.shape_cast %get3A_87 : vector<16xi32> to vector<16xi32>
    %get3A_89 = arith.constant 896 : index
    %get3A_90 = tpu.vector_load %arg6[%get3A_89] {strides = array<i32>} : memref<1024xf32, #tpu.memory_space<vmem>>, vector<16xf32>,
    %get3A_91 = vector.shape_cast %get3A_90 : vector<16xf32> to vector<16xf32>
    %eq3A_92 = vector.broadcast %add3A_4 : i32 to vector<16xi32>
    %eq3A_93 = arith.cmpi eq, %get3A_88, %eq3A_92 : vector<16xi32>
    %jit3A_94 = arith.constant 0.000000e+00 : f32
    %broadcast_in_dim3A_95 = vector.broadcast %jit3A_94 : f32 to vector<16xf32>
    %select_n3A_96 = arith.select %eq3A_93, %get3A_91, %broadcast_in_dim3A_95 : vector<16xi1>, vector<16xf32>
    %add3A_97 = arith.addf %add3A_85, %select_n3A_96 : vector<16xf32>
    %swap3A = arith.constant 0 : index
    %swap3A_98 = tpu.vector_load %arg7[%swap3A] {strides = array<i32>} : memref<128xf32, #tpu.memory_space<vmem>>, vector<16xf32>,
    %swap3A_99 = vector.shape_cast %swap3A_98 : vector<16xf32> to vector<16xf32>
    %swap3A_100 = vector.shape_cast %add3A_97 : vector<16xf32> to vector<16xf32>
    tpu.vector_store %arg7[%swap3A], %swap3A_100 {strides = array<i32>} : memref<128xf32, #tpu.memory_space<vmem>>, vector<16xf32>,
    %broadcast_in_dim3A_101 = arith.constant 0.000000e+00 : f32
    %broadcast_in_dim3A_102 = vector.broadcast %broadcast_in_dim3A_101 : f32 to vector<16xf32>
    %get3A_103 = arith.constant 16 : index
    %get3A_104 = tpu.vector_load %arg5[%get3A_103] {strides = array<i32>} : memref<1024xi32, #tpu.memory_space<vmem>>, vector<16xi32>,
    %get3A_105 = vector.shape_cast %get3A_104 : vector<16xi32> to vector<16xi32>
    %get3A_106 = arith.constant 16 : index
    %get3A_107 = tpu.vector_load %arg6[%get3A_106] {strides = array<i32>} : memref<1024xf32, #tpu.memory_space<vmem>>, vector<16xf32>,
    %get3A_108 = vector.shape_cast %get3A_107 : vector<16xf32> to vector<16xf32>
    %eq3A_109 = vector.broadcast %add3A_4 : i32 to vector<16xi32>
    %eq3A_110 = arith.cmpi eq, %get3A_105, %eq3A_109 : vector<16xi32>
    %jit3A_111 = arith.constant 0.000000e+00 : f32
    %broadcast_in_dim3A_112 = vector.broadcast %jit3A_111 : f32 to vector<16xf32>
    %select_n3A_113 = arith.select %eq3A_110, %get3A_108, %broadcast_in_dim3A_112 : vector<16xi1>, vector<16xf32>
    %add3A_114 = arith.addf %broadcast_in_dim3A_102, %select_n3A_113 : vector<16xf32>
    %get3A_115 = arith.constant 144 : index
    %get3A_116 = tpu.vector_load %arg5[%get3A_115] {strides = array<i32>} : memref<1024xi32, #tpu.memory_space<vmem>>, vector<16xi32>,
    %get3A_117 = vector.shape_cast %get3A_116 : vector<16xi32> to vector<16xi32>
    %get3A_118 = arith.constant 144 : index
    %get3A_119 = tpu.vector_load %arg6[%get3A_118] {strides = array<i32>} : memref<1024xf32, #tpu.memory_space<vmem>>, vector<16xf32>,
    %get3A_120 = vector.shape_cast %get3A_119 : vector<16xf32> to vector<16xf32>
    %eq3A_121 = vector.broadcast %add3A_4 : i32 to vector<16xi32>
    %eq3A_122 = arith.cmpi eq, %get3A_117, %eq3A_121 : vector<16xi32>
    %jit3A_123 = arith.constant 0.000000e+00 : f32
    %broadcast_in_dim3A_124 = vector.broadcast %jit3A_123 : f32 to vector<16xf32>
    %select_n3A_125 = arith.select %eq3A_122, %get3A_120, %broadcast_in_dim3A_124 : vector<16xi1>, vector<16xf32>
    %add3A_126 = arith.addf %add3A_114, %select_n3A_125 : vector<16xf32>
    %get3A_127 = arith.constant 272 : index
    %get3A_128 = tpu.vector_load %arg5[%get3A_127] {strides = array<i32>} : memref<1024xi32, #tpu.memory_space<vmem>>, vector<16xi32>,
    %get3A_129 = vector.shape_cast %get3A_128 : vector<16xi32> to vector<16xi32>
    %get3A_130 = arith.constant 272 : index
    %get3A_131 = tpu.vector_load %arg6[%get3A_130] {strides = array<i32>} : memref<1024xf32, #tpu.memory_space<vmem>>, vector<16xf32>,
    %get3A_132 = vector.shape_cast %get3A_131 : vector<16xf32> to vector<16xf32>
    %eq3A_133 = vector.broadcast %add3A_4 : i32 to vector<16xi32>
    %eq3A_134 = arith.cmpi eq, %get3A_129, %eq3A_133 : vector<16xi32>
    %jit3A_135 = arith.constant 0.000000e+00 : f32
    %broadcast_in_dim3A_136 = vector.broadcast %jit3A_135 : f32 to vector<16xf32>
    %select_n3A_137 = arith.select %eq3A_134, %get3A_132, %broadcast_in_dim3A_136 : vector<16xi1>, vector<16xf32>
    %add3A_138 = arith.addf %add3A_126, %select_n3A_137 : vector<16xf32>
    %get3A_139 = arith.constant 400 : index
    %get3A_140 = tpu.vector_load %arg5[%get3A_139] {strides = array<i32>} : memref<1024xi32, #tpu.memory_space<vmem>>, vector<16xi32>,
    %get3A_141 = vector.shape_cast %get3A_140 : vector<16xi32> to vector<16xi32>
    %get3A_142 = arith.constant 400 : index
    %get3A_143 = tpu.vector_load %arg6[%get3A_142] {strides = array<i32>} : memref<1024xf32, #tpu.memory_space<vmem>>, vector<16xf32>,
    %get3A_144 = vector.shape_cast %get3A_143 : vector<16xf32> to vector<16xf32>
    %eq3A_145 = vector.broadcast %add3A_4 : i32 to vector<16xi32>
    %eq3A_146 = arith.cmpi eq, %get3A_141, %eq3A_145 : vector<16xi32>
    %jit3A_147 = arith.constant 0.000000e+00 : f32
    %broadcast_in_dim3A_148 = vector.broadcast %jit3A_147 : f32 to vector<16xf32>
    %select_n3A_149 = arith.select %eq3A_146, %get3A_144, %broadcast_in_dim3A_148 : vector<16xi1>, vector<16xf32>
    %add3A_150 = arith.addf %add3A_138, %select_n3A_149 : vector<16xf32>
    %get3A_151 = arith.constant 528 : index
    %get3A_152 = tpu.vector_load %arg5[%get3A_151] {strides = array<i32>} : memref<1024xi32, #tpu.memory_space<vmem>>, vector<16xi32>,
    %get3A_153 = vector.shape_cast %get3A_152 : vector<16xi32> to vector<16xi32>
    %get3A_154 = arith.constant 528 : index
    %get3A_155 = tpu.vector_load %arg6[%get3A_154] {strides = array<i32>} : memref<1024xf32, #tpu.memory_space<vmem>>, vector<16xf32>,
    %get3A_156 = vector.shape_cast %get3A_155 : vector<16xf32> to vector<16xf32>
    %eq3A_157 = vector.broadcast %add3A_4 : i32 to vector<16xi32>
    %eq3A_158 = arith.cmpi eq, %get3A_153, %eq3A_157 : vector<16xi32>
    %jit3A_159 = arith.constant 0.000000e+00 : f32
    %broadcast_in_dim3A_160 = vector.broadcast %jit3A_159 : f32 to vector<16xf32>
    %select_n3A_161 = arith.select %eq3A_158, %get3A_156, %broadcast_in_dim3A_160 : vector<16xi1>, vector<16xf32>
    %add3A_162 = arith.addf %add3A_150, %select_n3A_161 : vector<16xf32>
    %get3A_163 = arith.constant 656 : index
    %get3A_164 = tpu.vector_load %arg5[%get3A_163] {strides = array<i32>} : memref<1024xi32, #tpu.memory_space<vmem>>, vector<16xi32>,
    %get3A_165 = vector.shape_cast %get3A_164 : vector<16xi32> to vector<16xi32>
    %get3A_166 = arith.constant 656 : index
    %get3A_167 = tpu.vector_load %arg6[%get3A_166] {strides = array<i32>} : memref<1024xf32, #tpu.memory_space<vmem>>, vector<16xf32>,
    %get3A_168 = vector.shape_cast %get3A_167 : vector<16xf32> to vector<16xf32>
    %eq3A_169 = vector.broadcast %add3A_4 : i32 to vector<16xi32>
    %eq3A_170 = arith.cmpi eq, %get3A_165, %eq3A_169 : vector<16xi32>
    %jit3A_171 = arith.constant 0.000000e+00 : f32
    %broadcast_in_dim3A_172 = vector.broadcast %jit3A_171 : f32 to vector<16xf32>
    %select_n3A_173 = arith.select %eq3A_170, %get3A_168, %broadcast_in_dim3A_172 : vector<16xi1>, vector<16xf32>
    %add3A_174 = arith.addf %add3A_162, %select_n3A_173 : vector<16xf32>
    %get3A_175 = arith.constant 784 : index
    %get3A_176 = tpu.vector_load %arg5[%get3A_175] {strides = array<i32>} : memref<1024xi32, #tpu.memory_space<vmem>>, vector<16xi32>,
    %get3A_177 = vector.shape_cast %get3A_176 : vector<16xi32> to vector<16xi32>
    %get3A_178 = arith.constant 784 : index
    %get3A_179 = tpu.vector_load %arg6[%get3A_178] {strides = array<i32>} : memref<1024xf32, #tpu.memory_space<vmem>>, vector<16xf32>,
    %get3A_180 = vector.shape_cast %get3A_179 : vector<16xf32> to vector<16xf32>
    %eq3A_181 = vector.broadcast %add3A_4 : i32 to vector<16xi32>
    %eq3A_182 = arith.cmpi eq, %get3A_177, %eq3A_181 : vector<16xi32>
    %jit3A_183 = arith.constant 0.000000e+00 : f32
    %broadcast_in_dim3A_184 = vector.broadcast %jit3A_183 : f32 to vector<16xf32>
    %select_n3A_185 = arith.select %eq3A_182, %get3A_180, %broadcast_in_dim3A_184 : vector<16xi1>, vector<16xf32>
    %add3A_186 = arith.addf %add3A_174, %select_n3A_185 : vector<16xf32>
    %get3A_187 = arith.constant 912 : index
    %get3A_188 = tpu.vector_load %arg5[%get3A_187] {strides = array<i32>} : memref<1024xi32, #tpu.memory_space<vmem>>, vector<16xi32>,
    %get3A_189 = vector.shape_cast %get3A_188 : vector<16xi32> to vector<16xi32>
    %get3A_190 = arith.constant 912 : index
    %get3A_191 = tpu.vector_load %arg6[%get3A_190] {strides = array<i32>} : memref<1024xf32, #tpu.memory_space<vmem>>, vector<16xf32>,
    %get3A_192 = vector.shape_cast %get3A_191 : vector<16xf32> to vector<16xf32>
    %eq3A_193 = vector.broadcast %add3A_4 : i32 to vector<16xi32>
    %eq3A_194 = arith.cmpi eq, %get3A_189, %eq3A_193 : vector<16xi32>
    %jit3A_195 = arith.constant 0.000000e+00 : f32
    %broadcast_in_dim3A_196 = vector.broadcast %jit3A_195 : f32 to vector<16xf32>
    %select_n3A_197 = arith.select %eq3A_194, %get3A_192, %broadcast_in_dim3A_196 : vector<16xi1>, vector<16xf32>
    %add3A_198 = arith.addf %add3A_186, %select_n3A_197 : vector<16xf32>
    %swap3A_199 = arith.constant 16 : index
    %swap3A_200 = tpu.vector_load %arg7[%swap3A_199] {strides = array<i32>} : memref<128xf32, #tpu.memory_space<vmem>>, vector<16xf32>,
    %swap3A_201 = vector.shape_cast %swap3A_200 : vector<16xf32> to vector<16xf32>
    %swap3A_202 = vector.shape_cast %add3A_198 : vector<16xf32> to vector<16xf32>
    tpu.vector_store %arg7[%swap3A_199], %swap3A_202 {strides = array<i32>} : memref<128xf32, #tpu.memory_space<vmem>>, vector<16xf32>,
    %broadcast_in_dim3A_203 = arith.constant 0.000000e+00 : f32
    %broadcast_in_dim3A_204 = vector.broadcast %broadcast_in_dim3A_203 : f32 to vector<16xf32>
    %get3A_205 = arith.constant 32 : index
    %get3A_206 = tpu.vector_load %arg5[%get3A_205] {strides = array<i32>} : memref<1024xi32, #tpu.memory_space<vmem>>, vector<16xi32>,
    %get3A_207 = vector.shape_cast %get3A_206 : vector<16xi32> to vector<16xi32>
    %get3A_208 = arith.constant 32 : index
    %get3A_209 = tpu.vector_load %arg6[%get3A_208] {strides = array<i32>} : memref<1024xf32, #tpu.memory_space<vmem>>, vector<16xf32>,
    %get3A_210 = vector.shape_cast %get3A_209 : vector<16xf32> to vector<16xf32>
    %eq3A_211 = vector.broadcast %add3A_4 : i32 to vector<16xi32>
    %eq3A_212 = arith.cmpi eq, %get3A_207, %eq3A_211 : vector<16xi32>
    %jit3A_213 = arith.constant 0.000000e+00 : f32
    %broadcast_in_dim3A_214 = vector.broadcast %jit3A_213 : f32 to vector<16xf32>
    %select_n3A_215 = arith.select %eq3A_212, %get3A_210, %broadcast_in_dim3A_214 : vector<16xi1>, vector<16xf32>
    %add3A_216 = arith.addf %broadcast_in_dim3A_204, %select_n3A_215 : vector<16xf32>
    %get3A_217 = arith.constant 160 : index
    %get3A_218 = tpu.vector_load %arg5[%get3A_217] {strides = array<i32>} : memref<1024xi32, #tpu.memory_space<vmem>>, vector<16xi32>,
    %get3A_219 = vector.shape_cast %get3A_218 : vector<16xi32> to vector<16xi32>
    %get3A_220 = arith.constant 160 : index
    %get3A_221 = tpu.vector_load %arg6[%get3A_220] {strides = array<i32>} : memref<1024xf32, #tpu.memory_space<vmem>>, vector<16xf32>,
    %get3A_222 = vector.shape_cast %get3A_221 : vector<16xf32> to vector<16xf32>
    %eq3A_223 = vector.broadcast %add3A_4 : i32 to vector<16xi32>
    %eq3A_224 = arith.cmpi eq, %get3A_219, %eq3A_223 : vector<16xi32>
    %jit3A_225 = arith.constant 0.000000e+00 : f32
    %broadcast_in_dim3A_226 = vector.broadcast %jit3A_225 : f32 to vector<16xf32>
    %select_n3A_227 = arith.select %eq3A_224, %get3A_222, %broadcast_in_dim3A_226 : vector<16xi1>, vector<16xf32>
    %add3A_228 = arith.addf %add3A_216, %select_n3A_227 : vector<16xf32>
    %get3A_229 = arith.constant 288 : index
    %get3A_230 = tpu.vector_load %arg5[%get3A_229] {strides = array<i32>} : memref<1024xi32, #tpu.memory_space<vmem>>, vector<16xi32>,
    %get3A_231 = vector.shape_cast %get3A_230 : vector<16xi32> to vector<16xi32>
    %get3A_232 = arith.constant 288 : index
    %get3A_233 = tpu.vector_load %arg6[%get3A_232] {strides = array<i32>} : memref<1024xf32, #tpu.memory_space<vmem>>, vector<16xf32>,
    %get3A_234 = vector.shape_cast %get3A_233 : vector<16xf32> to vector<16xf32>
    %eq3A_235 = vector.broadcast %add3A_4 : i32 to vector<16xi32>
    %eq3A_236 = arith.cmpi eq, %get3A_231, %eq3A_235 : vector<16xi32>
    %jit3A_237 = arith.constant 0.000000e+00 : f32
    %broadcast_in_dim3A_238 = vector.broadcast %jit3A_237 : f32 to vector<16xf32>
    %select_n3A_239 = arith.select %eq3A_236, %get3A_234, %broadcast_in_dim3A_238 : vector<16xi1>, vector<16xf32>
    %add3A_240 = arith.addf %add3A_228, %select_n3A_239 : vector<16xf32>
    %get3A_241 = arith.constant 416 : index
    %get3A_242 = tpu.vector_load %arg5[%get3A_241] {strides = array<i32>} : memref<1024xi32, #tpu.memory_space<vmem>>, vector<16xi32>,
    %get3A_243 = vector.shape_cast %get3A_242 : vector<16xi32> to vector<16xi32>
    %get3A_244 = arith.constant 416 : index
    %get3A_245 = tpu.vector_load %arg6[%get3A_244] {strides = array<i32>} : memref<1024xf32, #tpu.memory_space<vmem>>, vector<16xf32>,
    %get3A_246 = vector.shape_cast %get3A_245 : vector<16xf32> to vector<16xf32>
    %eq3A_247 = vector.broadcast %add3A_4 : i32 to vector<16xi32>
    %eq3A_248 = arith.cmpi eq, %get3A_243, %eq3A_247 : vector<16xi32>
    %jit3A_249 = arith.constant 0.000000e+00 : f32
    %broadcast_in_dim3A_250 = vector.broadcast %jit3A_249 : f32 to vector<16xf32>
    %select_n3A_251 = arith.select %eq3A_248, %get3A_246, %broadcast_in_dim3A_250 : vector<16xi1>, vector<16xf32>
    %add3A_252 = arith.addf %add3A_240, %select_n3A_251 : vector<16xf32>
    %get3A_253 = arith.constant 544 : index
    %get3A_254 = tpu.vector_load %arg5[%get3A_253] {strides = array<i32>} : memref<1024xi32, #tpu.memory_space<vmem>>, vector<16xi32>,
    %get3A_255 = vector.shape_cast %get3A_254 : vector<16xi32> to vector<16xi32>
    %get3A_256 = arith.constant 544 : index
    %get3A_257 = tpu.vector_load %arg6[%get3A_256] {strides = array<i32>} : memref<1024xf32, #tpu.memory_space<vmem>>, vector<16xf32>,
    %get3A_258 = vector.shape_cast %get3A_257 : vector<16xf32> to vector<16xf32>
    %eq3A_259 = vector.broadcast %add3A_4 : i32 to vector<16xi32>
    %eq3A_260 = arith.cmpi eq, %get3A_255, %eq3A_259 : vector<16xi32>
    %jit3A_261 = arith.constant 0.000000e+00 : f32
    %broadcast_in_dim3A_262 = vector.broadcast %jit3A_261 : f32 to vector<16xf32>
    %select_n3A_263 = arith.select %eq3A_260, %get3A_258, %broadcast_in_dim3A_262 : vector<16xi1>, vector<16xf32>
    %add3A_264 = arith.addf %add3A_252, %select_n3A_263 : vector<16xf32>
    %get3A_265 = arith.constant 672 : index
    %get3A_266 = tpu.vector_load %arg5[%get3A_265] {strides = array<i32>} : memref<1024xi32, #tpu.memory_space<vmem>>, vector<16xi32>,
    %get3A_267 = vector.shape_cast %get3A_266 : vector<16xi32> to vector<16xi32>
    %get3A_268 = arith.constant 672 : index
    %get3A_269 = tpu.vector_load %arg6[%get3A_268] {strides = array<i32>} : memref<1024xf32, #tpu.memory_space<vmem>>, vector<16xf32>,
    %get3A_270 = vector.shape_cast %get3A_269 : vector<16xf32> to vector<16xf32>
    %eq3A_271 = vector.broadcast %add3A_4 : i32 to vector<16xi32>
    %eq3A_272 = arith.cmpi eq, %get3A_267, %eq3A_271 : vector<16xi32>
    %jit3A_273 = arith.constant 0.000000e+00 : f32
    %broadcast_in_dim3A_274 = vector.broadcast %jit3A_273 : f32 to vector<16xf32>
    %select_n3A_275 = arith.select %eq3A_272, %get3A_270, %broadcast_in_dim3A_274 : vector<16xi1>, vector<16xf32>
    %add3A_276 = arith.addf %add3A_264, %select_n3A_275 : vector<16xf32>
    %get3A_277 = arith.constant 800 : index
    %get3A_278 = tpu.vector_load %arg5[%get3A_277] {strides = array<i32>} : memref<1024xi32, #tpu.memory_space<vmem>>, vector<16xi32>,
    %get3A_279 = vector.shape_cast %get3A_278 : vector<16xi32> to vector<16xi32>
    %get3A_280 = arith.constant 800 : index
    %get3A_281 = tpu.vector_load %arg6[%get3A_280] {strides = array<i32>} : memref<1024xf32, #tpu.memory_space<vmem>>, vector<16xf32>,
    %get3A_282 = vector.shape_cast %get3A_281 : vector<16xf32> to vector<16xf32>
    %eq3A_283 = vector.broadcast %add3A_4 : i32 to vector<16xi32>
    %eq3A_284 = arith.cmpi eq, %get3A_279, %eq3A_283 : vector<16xi32>
    %jit3A_285 = arith.constant 0.000000e+00 : f32
    %broadcast_in_dim3A_286 = vector.broadcast %jit3A_285 : f32 to vector<16xf32>
    %select_n3A_287 = arith.select %eq3A_284, %get3A_282, %broadcast_in_dim3A_286 : vector<16xi1>, vector<16xf32>
    %add3A_288 = arith.addf %add3A_276, %select_n3A_287 : vector<16xf32>
    %get3A_289 = arith.constant 928 : index
    %get3A_290 = tpu.vector_load %arg5[%get3A_289] {strides = array<i32>} : memref<1024xi32, #tpu.memory_space<vmem>>, vector<16xi32>,
    %get3A_291 = vector.shape_cast %get3A_290 : vector<16xi32> to vector<16xi32>
    %get3A_292 = arith.constant 928 : index
    %get3A_293 = tpu.vector_load %arg6[%get3A_292] {strides = array<i32>} : memref<1024xf32, #tpu.memory_space<vmem>>, vector<16xf32>,
    %get3A_294 = vector.shape_cast %get3A_293 : vector<16xf32> to vector<16xf32>
    %eq3A_295 = vector.broadcast %add3A_4 : i32 to vector<16xi32>
    %eq3A_296 = arith.cmpi eq, %get3A_291, %eq3A_295 : vector<16xi32>
    %jit3A_297 = arith.constant 0.000000e+00 : f32
    %broadcast_in_dim3A_298 = vector.broadcast %jit3A_297 : f32 to vector<16xf32>
    %select_n3A_299 = arith.select %eq3A_296, %get3A_294, %broadcast_in_dim3A_298 : vector<16xi1>, vector<16xf32>
    %add3A_300 = arith.addf %add3A_288, %select_n3A_299 : vector<16xf32>
    %swap3A_301 = arith.constant 32 : index
    %swap3A_302 = tpu.vector_load %arg7[%swap3A_301] {strides = array<i32>} : memref<128xf32, #tpu.memory_space<vmem>>, vector<16xf32>,
    %swap3A_303 = vector.shape_cast %swap3A_302 : vector<16xf32> to vector<16xf32>
    %swap3A_304 = vector.shape_cast %add3A_300 : vector<16xf32> to vector<16xf32>
    tpu.vector_store %arg7[%swap3A_301], %swap3A_304 {strides = array<i32>} : memref<128xf32, #tpu.memory_space<vmem>>, vector<16xf32>,
    %broadcast_in_dim3A_305 = arith.constant 0.000000e+00 : f32
    %broadcast_in_dim3A_306 = vector.broadcast %broadcast_in_dim3A_305 : f32 to vector<16xf32>
    %get3A_307 = arith.constant 48 : index
    %get3A_308 = tpu.vector_load %arg5[%get3A_307] {strides = array<i32>} : memref<1024xi32, #tpu.memory_space<vmem>>, vector<16xi32>,
    %get3A_309 = vector.shape_cast %get3A_308 : vector<16xi32> to vector<16xi32>
    %get3A_310 = arith.constant 48 : index
    %get3A_311 = tpu.vector_load %arg6[%get3A_310] {strides = array<i32>} : memref<1024xf32, #tpu.memory_space<vmem>>, vector<16xf32>,
    %get3A_312 = vector.shape_cast %get3A_311 : vector<16xf32> to vector<16xf32>
    %eq3A_313 = vector.broadcast %add3A_4 : i32 to vector<16xi32>
    %eq3A_314 = arith.cmpi eq, %get3A_309, %eq3A_313 : vector<16xi32>
    %jit3A_315 = arith.constant 0.000000e+00 : f32
    %broadcast_in_dim3A_316 = vector.broadcast %jit3A_315 : f32 to vector<16xf32>
    %select_n3A_317 = arith.select %eq3A_314, %get3A_312, %broadcast_in_dim3A_316 : vector<16xi1>, vector<16xf32>
    %add3A_318 = arith.addf %broadcast_in_dim3A_306, %select_n3A_317 : vector<16xf32>
    %get3A_319 = arith.constant 176 : index
    %get3A_320 = tpu.vector_load %arg5[%get3A_319] {strides = array<i32>} : memref<1024xi32, #tpu.memory_space<vmem>>, vector<16xi32>,
    %get3A_321 = vector.shape_cast %get3A_320 : vector<16xi32> to vector<16xi32>
    %get3A_322 = arith.constant 176 : index
    %get3A_323 = tpu.vector_load %arg6[%get3A_322] {strides = array<i32>} : memref<1024xf32, #tpu.memory_space<vmem>>, vector<16xf32>,
    %get3A_324 = vector.shape_cast %get3A_323 : vector<16xf32> to vector<16xf32>
    %eq3A_325 = vector.broadcast %add3A_4 : i32 to vector<16xi32>
    %eq3A_326 = arith.cmpi eq, %get3A_321, %eq3A_325 : vector<16xi32>
    %jit3A_327 = arith.constant 0.000000e+00 : f32
    %broadcast_in_dim3A_328 = vector.broadcast %jit3A_327 : f32 to vector<16xf32>
    %select_n3A_329 = arith.select %eq3A_326, %get3A_324, %broadcast_in_dim3A_328 : vector<16xi1>, vector<16xf32>
    %add3A_330 = arith.addf %add3A_318, %select_n3A_329 : vector<16xf32>
    %get3A_331 = arith.constant 304 : index
    %get3A_332 = tpu.vector_load %arg5[%get3A_331] {strides = array<i32>} : memref<1024xi32, #tpu.memory_space<vmem>>, vector<16xi32>,
    %get3A_333 = vector.shape_cast %get3A_332 : vector<16xi32> to vector<16xi32>
    %get3A_334 = arith.constant 304 : index
    %get3A_335 = tpu.vector_load %arg6[%get3A_334] {strides = array<i32>} : memref<1024xf32, #tpu.memory_space<vmem>>, vector<16xf32>,
    %get3A_336 = vector.shape_cast %get3A_335 : vector<16xf32> to vector<16xf32>
    %eq3A_337 = vector.broadcast %add3A_4 : i32 to vector<16xi32>
    %eq3A_338 = arith.cmpi eq, %get3A_333, %eq3A_337 : vector<16xi32>
    %jit3A_339 = arith.constant 0.000000e+00 : f32
    %broadcast_in_dim3A_340 = vector.broadcast %jit3A_339 : f32 to vector<16xf32>
    %select_n3A_341 = arith.select %eq3A_338, %get3A_336, %broadcast_in_dim3A_340 : vector<16xi1>, vector<16xf32>
    %add3A_342 = arith.addf %add3A_330, %select_n3A_341 : vector<16xf32>
    %get3A_343 = arith.constant 432 : index
    %get3A_344 = tpu.vector_load %arg5[%get3A_343] {strides = array<i32>} : memref<1024xi32, #tpu.memory_space<vmem>>, vector<16xi32>,
    %get3A_345 = vector.shape_cast %get3A_344 : vector<16xi32> to vector<16xi32>
    %get3A_346 = arith.constant 432 : index
    %get3A_347 = tpu.vector_load %arg6[%get3A_346] {strides = array<i32>} : memref<1024xf32, #tpu.memory_space<vmem>>, vector<16xf32>,
    %get3A_348 = vector.shape_cast %get3A_347 : vector<16xf32> to vector<16xf32>
    %eq3A_349 = vector.broadcast %add3A_4 : i32 to vector<16xi32>
    %eq3A_350 = arith.cmpi eq, %get3A_345, %eq3A_349 : vector<16xi32>
    %jit3A_351 = arith.constant 0.000000e+00 : f32
    %broadcast_in_dim3A_352 = vector.broadcast %jit3A_351 : f32 to vector<16xf32>
    %select_n3A_353 = arith.select %eq3A_350, %get3A_348, %broadcast_in_dim3A_352 : vector<16xi1>, vector<16xf32>
    %add3A_354 = arith.addf %add3A_342, %select_n3A_353 : vector<16xf32>
    %get3A_355 = arith.constant 560 : index
    %get3A_356 = tpu.vector_load %arg5[%get3A_355] {strides = array<i32>} : memref<1024xi32, #tpu.memory_space<vmem>>, vector<16xi32>,
    %get3A_357 = vector.shape_cast %get3A_356 : vector<16xi32> to vector<16xi32>
    %get3A_358 = arith.constant 560 : index
    %get3A_359 = tpu.vector_load %arg6[%get3A_358] {strides = array<i32>} : memref<1024xf32, #tpu.memory_space<vmem>>, vector<16xf32>,
    %get3A_360 = vector.shape_cast %get3A_359 : vector<16xf32> to vector<16xf32>
    %eq3A_361 = vector.broadcast %add3A_4 : i32 to vector<16xi32>
    %eq3A_362 = arith.cmpi eq, %get3A_357, %eq3A_361 : vector<16xi32>
    %jit3A_363 = arith.constant 0.000000e+00 : f32
    %broadcast_in_dim3A_364 = vector.broadcast %jit3A_363 : f32 to vector<16xf32>
    %select_n3A_365 = arith.select %eq3A_362, %get3A_360, %broadcast_in_dim3A_364 : vector<16xi1>, vector<16xf32>
    %add3A_366 = arith.addf %add3A_354, %select_n3A_365 : vector<16xf32>
    %get3A_367 = arith.constant 688 : index
    %get3A_368 = tpu.vector_load %arg5[%get3A_367] {strides = array<i32>} : memref<1024xi32, #tpu.memory_space<vmem>>, vector<16xi32>,
    %get3A_369 = vector.shape_cast %get3A_368 : vector<16xi32> to vector<16xi32>
    %get3A_370 = arith.constant 688 : index
    %get3A_371 = tpu.vector_load %arg6[%get3A_370] {strides = array<i32>} : memref<1024xf32, #tpu.memory_space<vmem>>, vector<16xf32>,
    %get3A_372 = vector.shape_cast %get3A_371 : vector<16xf32> to vector<16xf32>
    %eq3A_373 = vector.broadcast %add3A_4 : i32 to vector<16xi32>
    %eq3A_374 = arith.cmpi eq, %get3A_369, %eq3A_373 : vector<16xi32>
    %jit3A_375 = arith.constant 0.000000e+00 : f32
    %broadcast_in_dim3A_376 = vector.broadcast %jit3A_375 : f32 to vector<16xf32>
    %select_n3A_377 = arith.select %eq3A_374, %get3A_372, %broadcast_in_dim3A_376 : vector<16xi1>, vector<16xf32>
    %add3A_378 = arith.addf %add3A_366, %select_n3A_377 : vector<16xf32>
    %get3A_379 = arith.constant 816 : index
    %get3A_380 = tpu.vector_load %arg5[%get3A_379] {strides = array<i32>} : memref<1024xi32, #tpu.memory_space<vmem>>, vector<16xi32>,
    %get3A_381 = vector.shape_cast %get3A_380 : vector<16xi32> to vector<16xi32>
    %get3A_382 = arith.constant 816 : index
    %get3A_383 = tpu.vector_load %arg6[%get3A_382] {strides = array<i32>} : memref<1024xf32, #tpu.memory_space<vmem>>, vector<16xf32>,
    %get3A_384 = vector.shape_cast %get3A_383 : vector<16xf32> to vector<16xf32>
    %eq3A_385 = vector.broadcast %add3A_4 : i32 to vector<16xi32>
    %eq3A_386 = arith.cmpi eq, %get3A_381, %eq3A_385 : vector<16xi32>
    %jit3A_387 = arith.constant 0.000000e+00 : f32
    %broadcast_in_dim3A_388 = vector.broadcast %jit3A_387 : f32 to vector<16xf32>
    %select_n3A_389 = arith.select %eq3A_386, %get3A_384, %broadcast_in_dim3A_388 : vector<16xi1>, vector<16xf32>
    %add3A_390 = arith.addf %add3A_378, %select_n3A_389 : vector<16xf32>
    %get3A_391 = arith.constant 944 : index
    %get3A_392 = tpu.vector_load %arg5[%get3A_391] {strides = array<i32>} : memref<1024xi32, #tpu.memory_space<vmem>>, vector<16xi32>,
    %get3A_393 = vector.shape_cast %get3A_392 : vector<16xi32> to vector<16xi32>
    %get3A_394 = arith.constant 944 : index
    %get3A_395 = tpu.vector_load %arg6[%get3A_394] {strides = array<i32>} : memref<1024xf32, #tpu.memory_space<vmem>>, vector<16xf32>,
    %get3A_396 = vector.shape_cast %get3A_395 : vector<16xf32> to vector<16xf32>
    %eq3A_397 = vector.broadcast %add3A_4 : i32 to vector<16xi32>
    %eq3A_398 = arith.cmpi eq, %get3A_393, %eq3A_397 : vector<16xi32>
    %jit3A_399 = arith.constant 0.000000e+00 : f32
    %broadcast_in_dim3A_400 = vector.broadcast %jit3A_399 : f32 to vector<16xf32>
    %select_n3A_401 = arith.select %eq3A_398, %get3A_396, %broadcast_in_dim3A_400 : vector<16xi1>, vector<16xf32>
    %add3A_402 = arith.addf %add3A_390, %select_n3A_401 : vector<16xf32>
    %swap3A_403 = arith.constant 48 : index
    %swap3A_404 = tpu.vector_load %arg7[%swap3A_403] {strides = array<i32>} : memref<128xf32, #tpu.memory_space<vmem>>, vector<16xf32>,
    %swap3A_405 = vector.shape_cast %swap3A_404 : vector<16xf32> to vector<16xf32>
    %swap3A_406 = vector.shape_cast %add3A_402 : vector<16xf32> to vector<16xf32>
    tpu.vector_store %arg7[%swap3A_403], %swap3A_406 {strides = array<i32>} : memref<128xf32, #tpu.memory_space<vmem>>, vector<16xf32>,
    %broadcast_in_dim3A_407 = arith.constant 0.000000e+00 : f32
    %broadcast_in_dim3A_408 = vector.broadcast %broadcast_in_dim3A_407 : f32 to vector<16xf32>
    %get3A_409 = arith.constant 64 : index
    %get3A_410 = tpu.vector_load %arg5[%get3A_409] {strides = array<i32>} : memref<1024xi32, #tpu.memory_space<vmem>>, vector<16xi32>,
    %get3A_411 = vector.shape_cast %get3A_410 : vector<16xi32> to vector<16xi32>
    %get3A_412 = arith.constant 64 : index
    %get3A_413 = tpu.vector_load %arg6[%get3A_412] {strides = array<i32>} : memref<1024xf32, #tpu.memory_space<vmem>>, vector<16xf32>,
    %get3A_414 = vector.shape_cast %get3A_413 : vector<16xf32> to vector<16xf32>
    %eq3A_415 = vector.broadcast %add3A_4 : i32 to vector<16xi32>
    %eq3A_416 = arith.cmpi eq, %get3A_411, %eq3A_415 : vector<16xi32>
    %jit3A_417 = arith.constant 0.000000e+00 : f32
    %broadcast_in_dim3A_418 = vector.broadcast %jit3A_417 : f32 to vector<16xf32>
    %select_n3A_419 = arith.select %eq3A_416, %get3A_414, %broadcast_in_dim3A_418 : vector<16xi1>, vector<16xf32>
    %add3A_420 = arith.addf %broadcast_in_dim3A_408, %select_n3A_419 : vector<16xf32>
    %get3A_421 = arith.constant 192 : index
    %get3A_422 = tpu.vector_load %arg5[%get3A_421] {strides = array<i32>} : memref<1024xi32, #tpu.memory_space<vmem>>, vector<16xi32>,
    %get3A_423 = vector.shape_cast %get3A_422 : vector<16xi32> to vector<16xi32>
    %get3A_424 = arith.constant 192 : index
    %get3A_425 = tpu.vector_load %arg6[%get3A_424] {strides = array<i32>} : memref<1024xf32, #tpu.memory_space<vmem>>, vector<16xf32>,
    %get3A_426 = vector.shape_cast %get3A_425 : vector<16xf32> to vector<16xf32>
    %eq3A_427 = vector.broadcast %add3A_4 : i32 to vector<16xi32>
    %eq3A_428 = arith.cmpi eq, %get3A_423, %eq3A_427 : vector<16xi32>
    %jit3A_429 = arith.constant 0.000000e+00 : f32
    %broadcast_in_dim3A_430 = vector.broadcast %jit3A_429 : f32 to vector<16xf32>
    %select_n3A_431 = arith.select %eq3A_428, %get3A_426, %broadcast_in_dim3A_430 : vector<16xi1>, vector<16xf32>
    %add3A_432 = arith.addf %add3A_420, %select_n3A_431 : vector<16xf32>
    %get3A_433 = arith.constant 320 : index
    %get3A_434 = tpu.vector_load %arg5[%get3A_433] {strides = array<i32>} : memref<1024xi32, #tpu.memory_space<vmem>>, vector<16xi32>,
    %get3A_435 = vector.shape_cast %get3A_434 : vector<16xi32> to vector<16xi32>
    %get3A_436 = arith.constant 320 : index
    %get3A_437 = tpu.vector_load %arg6[%get3A_436] {strides = array<i32>} : memref<1024xf32, #tpu.memory_space<vmem>>, vector<16xf32>,
    %get3A_438 = vector.shape_cast %get3A_437 : vector<16xf32> to vector<16xf32>
    %eq3A_439 = vector.broadcast %add3A_4 : i32 to vector<16xi32>
    %eq3A_440 = arith.cmpi eq, %get3A_435, %eq3A_439 : vector<16xi32>
    %jit3A_441 = arith.constant 0.000000e+00 : f32
    %broadcast_in_dim3A_442 = vector.broadcast %jit3A_441 : f32 to vector<16xf32>
    %select_n3A_443 = arith.select %eq3A_440, %get3A_438, %broadcast_in_dim3A_442 : vector<16xi1>, vector<16xf32>
    %add3A_444 = arith.addf %add3A_432, %select_n3A_443 : vector<16xf32>
    %get3A_445 = arith.constant 448 : index
    %get3A_446 = tpu.vector_load %arg5[%get3A_445] {strides = array<i32>} : memref<1024xi32, #tpu.memory_space<vmem>>, vector<16xi32>,
    %get3A_447 = vector.shape_cast %get3A_446 : vector<16xi32> to vector<16xi32>
    %get3A_448 = arith.constant 448 : index
    %get3A_449 = tpu.vector_load %arg6[%get3A_448] {strides = array<i32>} : memref<1024xf32, #tpu.memory_space<vmem>>, vector<16xf32>,
    %get3A_450 = vector.shape_cast %get3A_449 : vector<16xf32> to vector<16xf32>
    %eq3A_451 = vector.broadcast %add3A_4 : i32 to vector<16xi32>
    %eq3A_452 = arith.cmpi eq, %get3A_447, %eq3A_451 : vector<16xi32>
    %jit3A_453 = arith.constant 0.000000e+00 : f32
    %broadcast_in_dim3A_454 = vector.broadcast %jit3A_453 : f32 to vector<16xf32>
    %select_n3A_455 = arith.select %eq3A_452, %get3A_450, %broadcast_in_dim3A_454 : vector<16xi1>, vector<16xf32>
    %add3A_456 = arith.addf %add3A_444, %select_n3A_455 : vector<16xf32>
    %get3A_457 = arith.constant 576 : index
    %get3A_458 = tpu.vector_load %arg5[%get3A_457] {strides = array<i32>} : memref<1024xi32, #tpu.memory_space<vmem>>, vector<16xi32>,
    %get3A_459 = vector.shape_cast %get3A_458 : vector<16xi32> to vector<16xi32>
    %get3A_460 = arith.constant 576 : index
    %get3A_461 = tpu.vector_load %arg6[%get3A_460] {strides = array<i32>} : memref<1024xf32, #tpu.memory_space<vmem>>, vector<16xf32>,
    %get3A_462 = vector.shape_cast %get3A_461 : vector<16xf32> to vector<16xf32>
    %eq3A_463 = vector.broadcast %add3A_4 : i32 to vector<16xi32>
    %eq3A_464 = arith.cmpi eq, %get3A_459, %eq3A_463 : vector<16xi32>
    %jit3A_465 = arith.constant 0.000000e+00 : f32
    %broadcast_in_dim3A_466 = vector.broadcast %jit3A_465 : f32 to vector<16xf32>
    %select_n3A_467 = arith.select %eq3A_464, %get3A_462, %broadcast_in_dim3A_466 : vector<16xi1>, vector<16xf32>
    %add3A_468 = arith.addf %add3A_456, %select_n3A_467 : vector<16xf32>
    %get3A_469 = arith.constant 704 : index
    %get3A_470 = tpu.vector_load %arg5[%get3A_469] {strides = array<i32>} : memref<1024xi32, #tpu.memory_space<vmem>>, vector<16xi32>,
    %get3A_471 = vector.shape_cast %get3A_470 : vector<16xi32> to vector<16xi32>
    %get3A_472 = arith.constant 704 : index
    %get3A_473 = tpu.vector_load %arg6[%get3A_472] {strides = array<i32>} : memref<1024xf32, #tpu.memory_space<vmem>>, vector<16xf32>,
    %get3A_474 = vector.shape_cast %get3A_473 : vector<16xf32> to vector<16xf32>
    %eq3A_475 = vector.broadcast %add3A_4 : i32 to vector<16xi32>
    %eq3A_476 = arith.cmpi eq, %get3A_471, %eq3A_475 : vector<16xi32>
    %jit3A_477 = arith.constant 0.000000e+00 : f32
    %broadcast_in_dim3A_478 = vector.broadcast %jit3A_477 : f32 to vector<16xf32>
    %select_n3A_479 = arith.select %eq3A_476, %get3A_474, %broadcast_in_dim3A_478 : vector<16xi1>, vector<16xf32>
    %add3A_480 = arith.addf %add3A_468, %select_n3A_479 : vector<16xf32>
    %get3A_481 = arith.constant 832 : index
    %get3A_482 = tpu.vector_load %arg5[%get3A_481] {strides = array<i32>} : memref<1024xi32, #tpu.memory_space<vmem>>, vector<16xi32>,
    %get3A_483 = vector.shape_cast %get3A_482 : vector<16xi32> to vector<16xi32>
    %get3A_484 = arith.constant 832 : index
    %get3A_485 = tpu.vector_load %arg6[%get3A_484] {strides = array<i32>} : memref<1024xf32, #tpu.memory_space<vmem>>, vector<16xf32>,
    %get3A_486 = vector.shape_cast %get3A_485 : vector<16xf32> to vector<16xf32>
    %eq3A_487 = vector.broadcast %add3A_4 : i32 to vector<16xi32>
    %eq3A_488 = arith.cmpi eq, %get3A_483, %eq3A_487 : vector<16xi32>
    %jit3A_489 = arith.constant 0.000000e+00 : f32
    %broadcast_in_dim3A_490 = vector.broadcast %jit3A_489 : f32 to vector<16xf32>
    %select_n3A_491 = arith.select %eq3A_488, %get3A_486, %broadcast_in_dim3A_490 : vector<16xi1>, vector<16xf32>
    %add3A_492 = arith.addf %add3A_480, %select_n3A_491 : vector<16xf32>
    %get3A_493 = arith.constant 960 : index
    %get3A_494 = tpu.vector_load %arg5[%get3A_493] {strides = array<i32>} : memref<1024xi32, #tpu.memory_space<vmem>>, vector<16xi32>,
    %get3A_495 = vector.shape_cast %get3A_494 : vector<16xi32> to vector<16xi32>
    %get3A_496 = arith.constant 960 : index
    %get3A_497 = tpu.vector_load %arg6[%get3A_496] {strides = array<i32>} : memref<1024xf32, #tpu.memory_space<vmem>>, vector<16xf32>,
    %get3A_498 = vector.shape_cast %get3A_497 : vector<16xf32> to vector<16xf32>
    %eq3A_499 = vector.broadcast %add3A_4 : i32 to vector<16xi32>
    %eq3A_500 = arith.cmpi eq, %get3A_495, %eq3A_499 : vector<16xi32>
    %jit3A_501 = arith.constant 0.000000e+00 : f32
    %broadcast_in_dim3A_502 = vector.broadcast %jit3A_501 : f32 to vector<16xf32>
    %select_n3A_503 = arith.select %eq3A_500, %get3A_498, %broadcast_in_dim3A_502 : vector<16xi1>, vector<16xf32>
    %add3A_504 = arith.addf %add3A_492, %select_n3A_503 : vector<16xf32>
    %swap3A_505 = arith.constant 64 : index
    %swap3A_506 = tpu.vector_load %arg7[%swap3A_505] {strides = array<i32>} : memref<128xf32, #tpu.memory_space<vmem>>, vector<16xf32>,
    %swap3A_507 = vector.shape_cast %swap3A_506 : vector<16xf32> to vector<16xf32>
    %swap3A_508 = vector.shape_cast %add3A_504 : vector<16xf32> to vector<16xf32>
    tpu.vector_store %arg7[%swap3A_505], %swap3A_508 {strides = array<i32>} : memref<128xf32, #tpu.memory_space<vmem>>, vector<16xf32>,
    %broadcast_in_dim3A_509 = arith.constant 0.000000e+00 : f32
    %broadcast_in_dim3A_510 = vector.broadcast %broadcast_in_dim3A_509 : f32 to vector<16xf32>
    %get3A_511 = arith.constant 80 : index
    %get3A_512 = tpu.vector_load %arg5[%get3A_511] {strides = array<i32>} : memref<1024xi32, #tpu.memory_space<vmem>>, vector<16xi32>,
    %get3A_513 = vector.shape_cast %get3A_512 : vector<16xi32> to vector<16xi32>
    %get3A_514 = arith.constant 80 : index
    %get3A_515 = tpu.vector_load %arg6[%get3A_514] {strides = array<i32>} : memref<1024xf32, #tpu.memory_space<vmem>>, vector<16xf32>,
    %get3A_516 = vector.shape_cast %get3A_515 : vector<16xf32> to vector<16xf32>
    %eq3A_517 = vector.broadcast %add3A_4 : i32 to vector<16xi32>
    %eq3A_518 = arith.cmpi eq, %get3A_513, %eq3A_517 : vector<16xi32>
    %jit3A_519 = arith.constant 0.000000e+00 : f32
    %broadcast_in_dim3A_520 = vector.broadcast %jit3A_519 : f32 to vector<16xf32>
    %select_n3A_521 = arith.select %eq3A_518, %get3A_516, %broadcast_in_dim3A_520 : vector<16xi1>, vector<16xf32>
    %add3A_522 = arith.addf %broadcast_in_dim3A_510, %select_n3A_521 : vector<16xf32>
    %get3A_523 = arith.constant 208 : index
    %get3A_524 = tpu.vector_load %arg5[%get3A_523] {strides = array<i32>} : memref<1024xi32, #tpu.memory_space<vmem>>, vector<16xi32>,
    %get3A_525 = vector.shape_cast %get3A_524 : vector<16xi32> to vector<16xi32>
    %get3A_526 = arith.constant 208 : index
    %get3A_527 = tpu.vector_load %arg6[%get3A_526] {strides = array<i32>} : memref<1024xf32, #tpu.memory_space<vmem>>, vector<16xf32>,
    %get3A_528 = vector.shape_cast %get3A_527 : vector<16xf32> to vector<16xf32>
    %eq3A_529 = vector.broadcast %add3A_4 : i32 to vector<16xi32>
    %eq3A_530 = arith.cmpi eq, %get3A_525, %eq3A_529 : vector<16xi32>
    %jit3A_531 = arith.constant 0.000000e+00 : f32
    %broadcast_in_dim3A_532 = vector.broadcast %jit3A_531 : f32 to vector<16xf32>
    %select_n3A_533 = arith.select %eq3A_530, %get3A_528, %broadcast_in_dim3A_532 : vector<16xi1>, vector<16xf32>
    %add3A_534 = arith.addf %add3A_522, %select_n3A_533 : vector<16xf32>
    %get3A_535 = arith.constant 336 : index
    %get3A_536 = tpu.vector_load %arg5[%get3A_535] {strides = array<i32>} : memref<1024xi32, #tpu.memory_space<vmem>>, vector<16xi32>,
    %get3A_537 = vector.shape_cast %get3A_536 : vector<16xi32> to vector<16xi32>
    %get3A_538 = arith.constant 336 : index
    %get3A_539 = tpu.vector_load %arg6[%get3A_538] {strides = array<i32>} : memref<1024xf32, #tpu.memory_space<vmem>>, vector<16xf32>,
    %get3A_540 = vector.shape_cast %get3A_539 : vector<16xf32> to vector<16xf32>
    %eq3A_541 = vector.broadcast %add3A_4 : i32 to vector<16xi32>
    %eq3A_542 = arith.cmpi eq, %get3A_537, %eq3A_541 : vector<16xi32>
    %jit3A_543 = arith.constant 0.000000e+00 : f32
    %broadcast_in_dim3A_544 = vector.broadcast %jit3A_543 : f32 to vector<16xf32>
    %select_n3A_545 = arith.select %eq3A_542, %get3A_540, %broadcast_in_dim3A_544 : vector<16xi1>, vector<16xf32>
    %add3A_546 = arith.addf %add3A_534, %select_n3A_545 : vector<16xf32>
    %get3A_547 = arith.constant 464 : index
    %get3A_548 = tpu.vector_load %arg5[%get3A_547] {strides = array<i32>} : memref<1024xi32, #tpu.memory_space<vmem>>, vector<16xi32>,
    %get3A_549 = vector.shape_cast %get3A_548 : vector<16xi32> to vector<16xi32>
    %get3A_550 = arith.constant 464 : index
    %get3A_551 = tpu.vector_load %arg6[%get3A_550] {strides = array<i32>} : memref<1024xf32, #tpu.memory_space<vmem>>, vector<16xf32>,
    %get3A_552 = vector.shape_cast %get3A_551 : vector<16xf32> to vector<16xf32>
    %eq3A_553 = vector.broadcast %add3A_4 : i32 to vector<16xi32>
    %eq3A_554 = arith.cmpi eq, %get3A_549, %eq3A_553 : vector<16xi32>
    %jit3A_555 = arith.constant 0.000000e+00 : f32
    %broadcast_in_dim3A_556 = vector.broadcast %jit3A_555 : f32 to vector<16xf32>
    %select_n3A_557 = arith.select %eq3A_554, %get3A_552, %broadcast_in_dim3A_556 : vector<16xi1>, vector<16xf32>
    %add3A_558 = arith.addf %add3A_546, %select_n3A_557 : vector<16xf32>
    %get3A_559 = arith.constant 592 : index
    %get3A_560 = tpu.vector_load %arg5[%get3A_559] {strides = array<i32>} : memref<1024xi32, #tpu.memory_space<vmem>>, vector<16xi32>,
    %get3A_561 = vector.shape_cast %get3A_560 : vector<16xi32> to vector<16xi32>
    %get3A_562 = arith.constant 592 : index
    %get3A_563 = tpu.vector_load %arg6[%get3A_562] {strides = array<i32>} : memref<1024xf32, #tpu.memory_space<vmem>>, vector<16xf32>,
    %get3A_564 = vector.shape_cast %get3A_563 : vector<16xf32> to vector<16xf32>
    %eq3A_565 = vector.broadcast %add3A_4 : i32 to vector<16xi32>
    %eq3A_566 = arith.cmpi eq, %get3A_561, %eq3A_565 : vector<16xi32>
    %jit3A_567 = arith.constant 0.000000e+00 : f32
    %broadcast_in_dim3A_568 = vector.broadcast %jit3A_567 : f32 to vector<16xf32>
    %select_n3A_569 = arith.select %eq3A_566, %get3A_564, %broadcast_in_dim3A_568 : vector<16xi1>, vector<16xf32>
    %add3A_570 = arith.addf %add3A_558, %select_n3A_569 : vector<16xf32>
    %get3A_571 = arith.constant 720 : index
    %get3A_572 = tpu.vector_load %arg5[%get3A_571] {strides = array<i32>} : memref<1024xi32, #tpu.memory_space<vmem>>, vector<16xi32>,
    %get3A_573 = vector.shape_cast %get3A_572 : vector<16xi32> to vector<16xi32>
    %get3A_574 = arith.constant 720 : index
    %get3A_575 = tpu.vector_load %arg6[%get3A_574] {strides = array<i32>} : memref<1024xf32, #tpu.memory_space<vmem>>, vector<16xf32>,
    %get3A_576 = vector.shape_cast %get3A_575 : vector<16xf32> to vector<16xf32>
    %eq3A_577 = vector.broadcast %add3A_4 : i32 to vector<16xi32>
    %eq3A_578 = arith.cmpi eq, %get3A_573, %eq3A_577 : vector<16xi32>
    %jit3A_579 = arith.constant 0.000000e+00 : f32
    %broadcast_in_dim3A_580 = vector.broadcast %jit3A_579 : f32 to vector<16xf32>
    %select_n3A_581 = arith.select %eq3A_578, %get3A_576, %broadcast_in_dim3A_580 : vector<16xi1>, vector<16xf32>
    %add3A_582 = arith.addf %add3A_570, %select_n3A_581 : vector<16xf32>
    %get3A_583 = arith.constant 848 : index
    %get3A_584 = tpu.vector_load %arg5[%get3A_583] {strides = array<i32>} : memref<1024xi32, #tpu.memory_space<vmem>>, vector<16xi32>,
    %get3A_585 = vector.shape_cast %get3A_584 : vector<16xi32> to vector<16xi32>
    %get3A_586 = arith.constant 848 : index
    %get3A_587 = tpu.vector_load %arg6[%get3A_586] {strides = array<i32>} : memref<1024xf32, #tpu.memory_space<vmem>>, vector<16xf32>,
    %get3A_588 = vector.shape_cast %get3A_587 : vector<16xf32> to vector<16xf32>
    %eq3A_589 = vector.broadcast %add3A_4 : i32 to vector<16xi32>
    %eq3A_590 = arith.cmpi eq, %get3A_585, %eq3A_589 : vector<16xi32>
    %jit3A_591 = arith.constant 0.000000e+00 : f32
    %broadcast_in_dim3A_592 = vector.broadcast %jit3A_591 : f32 to vector<16xf32>
    %select_n3A_593 = arith.select %eq3A_590, %get3A_588, %broadcast_in_dim3A_592 : vector<16xi1>, vector<16xf32>
    %add3A_594 = arith.addf %add3A_582, %select_n3A_593 : vector<16xf32>
    %get3A_595 = arith.constant 976 : index
    %get3A_596 = tpu.vector_load %arg5[%get3A_595] {strides = array<i32>} : memref<1024xi32, #tpu.memory_space<vmem>>, vector<16xi32>,
    %get3A_597 = vector.shape_cast %get3A_596 : vector<16xi32> to vector<16xi32>
    %get3A_598 = arith.constant 976 : index
    %get3A_599 = tpu.vector_load %arg6[%get3A_598] {strides = array<i32>} : memref<1024xf32, #tpu.memory_space<vmem>>, vector<16xf32>,
    %get3A_600 = vector.shape_cast %get3A_599 : vector<16xf32> to vector<16xf32>
    %eq3A_601 = vector.broadcast %add3A_4 : i32 to vector<16xi32>
    %eq3A_602 = arith.cmpi eq, %get3A_597, %eq3A_601 : vector<16xi32>
    %jit3A_603 = arith.constant 0.000000e+00 : f32
    %broadcast_in_dim3A_604 = vector.broadcast %jit3A_603 : f32 to vector<16xf32>
    %select_n3A_605 = arith.select %eq3A_602, %get3A_600, %broadcast_in_dim3A_604 : vector<16xi1>, vector<16xf32>
    %add3A_606 = arith.addf %add3A_594, %select_n3A_605 : vector<16xf32>
    %swap3A_607 = arith.constant 80 : index
    %swap3A_608 = tpu.vector_load %arg7[%swap3A_607] {strides = array<i32>} : memref<128xf32, #tpu.memory_space<vmem>>, vector<16xf32>,
    %swap3A_609 = vector.shape_cast %swap3A_608 : vector<16xf32> to vector<16xf32>
    %swap3A_610 = vector.shape_cast %add3A_606 : vector<16xf32> to vector<16xf32>
    tpu.vector_store %arg7[%swap3A_607], %swap3A_610 {strides = array<i32>} : memref<128xf32, #tpu.memory_space<vmem>>, vector<16xf32>,
    %broadcast_in_dim3A_611 = arith.constant 0.000000e+00 : f32
    %broadcast_in_dim3A_612 = vector.broadcast %broadcast_in_dim3A_611 : f32 to vector<16xf32>
    %get3A_613 = arith.constant 96 : index
    %get3A_614 = tpu.vector_load %arg5[%get3A_613] {strides = array<i32>} : memref<1024xi32, #tpu.memory_space<vmem>>, vector<16xi32>,
    %get3A_615 = vector.shape_cast %get3A_614 : vector<16xi32> to vector<16xi32>
    %get3A_616 = arith.constant 96 : index
    %get3A_617 = tpu.vector_load %arg6[%get3A_616] {strides = array<i32>} : memref<1024xf32, #tpu.memory_space<vmem>>, vector<16xf32>,
    %get3A_618 = vector.shape_cast %get3A_617 : vector<16xf32> to vector<16xf32>
    %eq3A_619 = vector.broadcast %add3A_4 : i32 to vector<16xi32>
    %eq3A_620 = arith.cmpi eq, %get3A_615, %eq3A_619 : vector<16xi32>
    %jit3A_621 = arith.constant 0.000000e+00 : f32
    %broadcast_in_dim3A_622 = vector.broadcast %jit3A_621 : f32 to vector<16xf32>
    %select_n3A_623 = arith.select %eq3A_620, %get3A_618, %broadcast_in_dim3A_622 : vector<16xi1>, vector<16xf32>
    %add3A_624 = arith.addf %broadcast_in_dim3A_612, %select_n3A_623 : vector<16xf32>
    %get3A_625 = arith.constant 224 : index
    %get3A_626 = tpu.vector_load %arg5[%get3A_625] {strides = array<i32>} : memref<1024xi32, #tpu.memory_space<vmem>>, vector<16xi32>,
    %get3A_627 = vector.shape_cast %get3A_626 : vector<16xi32> to vector<16xi32>
    %get3A_628 = arith.constant 224 : index
    %get3A_629 = tpu.vector_load %arg6[%get3A_628] {strides = array<i32>} : memref<1024xf32, #tpu.memory_space<vmem>>, vector<16xf32>,
    %get3A_630 = vector.shape_cast %get3A_629 : vector<16xf32> to vector<16xf32>
    %eq3A_631 = vector.broadcast %add3A_4 : i32 to vector<16xi32>
    %eq3A_632 = arith.cmpi eq, %get3A_627, %eq3A_631 : vector<16xi32>
    %jit3A_633 = arith.constant 0.000000e+00 : f32
    %broadcast_in_dim3A_634 = vector.broadcast %jit3A_633 : f32 to vector<16xf32>
    %select_n3A_635 = arith.select %eq3A_632, %get3A_630, %broadcast_in_dim3A_634 : vector<16xi1>, vector<16xf32>
    %add3A_636 = arith.addf %add3A_624, %select_n3A_635 : vector<16xf32>
    %get3A_637 = arith.constant 352 : index
    %get3A_638 = tpu.vector_load %arg5[%get3A_637] {strides = array<i32>} : memref<1024xi32, #tpu.memory_space<vmem>>, vector<16xi32>,
    %get3A_639 = vector.shape_cast %get3A_638 : vector<16xi32> to vector<16xi32>
    %get3A_640 = arith.constant 352 : index
    %get3A_641 = tpu.vector_load %arg6[%get3A_640] {strides = array<i32>} : memref<1024xf32, #tpu.memory_space<vmem>>, vector<16xf32>,
    %get3A_642 = vector.shape_cast %get3A_641 : vector<16xf32> to vector<16xf32>
    %eq3A_643 = vector.broadcast %add3A_4 : i32 to vector<16xi32>
    %eq3A_644 = arith.cmpi eq, %get3A_639, %eq3A_643 : vector<16xi32>
    %jit3A_645 = arith.constant 0.000000e+00 : f32
    %broadcast_in_dim3A_646 = vector.broadcast %jit3A_645 : f32 to vector<16xf32>
    %select_n3A_647 = arith.select %eq3A_644, %get3A_642, %broadcast_in_dim3A_646 : vector<16xi1>, vector<16xf32>
    %add3A_648 = arith.addf %add3A_636, %select_n3A_647 : vector<16xf32>
    %get3A_649 = arith.constant 480 : index
    %get3A_650 = tpu.vector_load %arg5[%get3A_649] {strides = array<i32>} : memref<1024xi32, #tpu.memory_space<vmem>>, vector<16xi32>,
    %get3A_651 = vector.shape_cast %get3A_650 : vector<16xi32> to vector<16xi32>
    %get3A_652 = arith.constant 480 : index
    %get3A_653 = tpu.vector_load %arg6[%get3A_652] {strides = array<i32>} : memref<1024xf32, #tpu.memory_space<vmem>>, vector<16xf32>,
    %get3A_654 = vector.shape_cast %get3A_653 : vector<16xf32> to vector<16xf32>
    %eq3A_655 = vector.broadcast %add3A_4 : i32 to vector<16xi32>
    %eq3A_656 = arith.cmpi eq, %get3A_651, %eq3A_655 : vector<16xi32>
    %jit3A_657 = arith.constant 0.000000e+00 : f32
    %broadcast_in_dim3A_658 = vector.broadcast %jit3A_657 : f32 to vector<16xf32>
    %select_n3A_659 = arith.select %eq3A_656, %get3A_654, %broadcast_in_dim3A_658 : vector<16xi1>, vector<16xf32>
    %add3A_660 = arith.addf %add3A_648, %select_n3A_659 : vector<16xf32>
    %get3A_661 = arith.constant 608 : index
    %get3A_662 = tpu.vector_load %arg5[%get3A_661] {strides = array<i32>} : memref<1024xi32, #tpu.memory_space<vmem>>, vector<16xi32>,
    %get3A_663 = vector.shape_cast %get3A_662 : vector<16xi32> to vector<16xi32>
    %get3A_664 = arith.constant 608 : index
    %get3A_665 = tpu.vector_load %arg6[%get3A_664] {strides = array<i32>} : memref<1024xf32, #tpu.memory_space<vmem>>, vector<16xf32>,
    %get3A_666 = vector.shape_cast %get3A_665 : vector<16xf32> to vector<16xf32>
    %eq3A_667 = vector.broadcast %add3A_4 : i32 to vector<16xi32>
    %eq3A_668 = arith.cmpi eq, %get3A_663, %eq3A_667 : vector<16xi32>
    %jit3A_669 = arith.constant 0.000000e+00 : f32
    %broadcast_in_dim3A_670 = vector.broadcast %jit3A_669 : f32 to vector<16xf32>
    %select_n3A_671 = arith.select %eq3A_668, %get3A_666, %broadcast_in_dim3A_670 : vector<16xi1>, vector<16xf32>
    %add3A_672 = arith.addf %add3A_660, %select_n3A_671 : vector<16xf32>
    %get3A_673 = arith.constant 736 : index
    %get3A_674 = tpu.vector_load %arg5[%get3A_673] {strides = array<i32>} : memref<1024xi32, #tpu.memory_space<vmem>>, vector<16xi32>,
    %get3A_675 = vector.shape_cast %get3A_674 : vector<16xi32> to vector<16xi32>
    %get3A_676 = arith.constant 736 : index
    %get3A_677 = tpu.vector_load %arg6[%get3A_676] {strides = array<i32>} : memref<1024xf32, #tpu.memory_space<vmem>>, vector<16xf32>,
    %get3A_678 = vector.shape_cast %get3A_677 : vector<16xf32> to vector<16xf32>
    %eq3A_679 = vector.broadcast %add3A_4 : i32 to vector<16xi32>
    %eq3A_680 = arith.cmpi eq, %get3A_675, %eq3A_679 : vector<16xi32>
    %jit3A_681 = arith.constant 0.000000e+00 : f32
    %broadcast_in_dim3A_682 = vector.broadcast %jit3A_681 : f32 to vector<16xf32>
    %select_n3A_683 = arith.select %eq3A_680, %get3A_678, %broadcast_in_dim3A_682 : vector<16xi1>, vector<16xf32>
    %add3A_684 = arith.addf %add3A_672, %select_n3A_683 : vector<16xf32>
    %get3A_685 = arith.constant 864 : index
    %get3A_686 = tpu.vector_load %arg5[%get3A_685] {strides = array<i32>} : memref<1024xi32, #tpu.memory_space<vmem>>, vector<16xi32>,
    %get3A_687 = vector.shape_cast %get3A_686 : vector<16xi32> to vector<16xi32>
    %get3A_688 = arith.constant 864 : index
    %get3A_689 = tpu.vector_load %arg6[%get3A_688] {strides = array<i32>} : memref<1024xf32, #tpu.memory_space<vmem>>, vector<16xf32>,
    %get3A_690 = vector.shape_cast %get3A_689 : vector<16xf32> to vector<16xf32>
    %eq3A_691 = vector.broadcast %add3A_4 : i32 to vector<16xi32>
    %eq3A_692 = arith.cmpi eq, %get3A_687, %eq3A_691 : vector<16xi32>
    %jit3A_693 = arith.constant 0.000000e+00 : f32
    %broadcast_in_dim3A_694 = vector.broadcast %jit3A_693 : f32 to vector<16xf32>
    %select_n3A_695 = arith.select %eq3A_692, %get3A_690, %broadcast_in_dim3A_694 : vector<16xi1>, vector<16xf32>
    %add3A_696 = arith.addf %add3A_684, %select_n3A_695 : vector<16xf32>
    %get3A_697 = arith.constant 992 : index
    %get3A_698 = tpu.vector_load %arg5[%get3A_697] {strides = array<i32>} : memref<1024xi32, #tpu.memory_space<vmem>>, vector<16xi32>,
    %get3A_699 = vector.shape_cast %get3A_698 : vector<16xi32> to vector<16xi32>
    %get3A_700 = arith.constant 992 : index
    %get3A_701 = tpu.vector_load %arg6[%get3A_700] {strides = array<i32>} : memref<1024xf32, #tpu.memory_space<vmem>>, vector<16xf32>,
    %get3A_702 = vector.shape_cast %get3A_701 : vector<16xf32> to vector<16xf32>
    %eq3A_703 = vector.broadcast %add3A_4 : i32 to vector<16xi32>
    %eq3A_704 = arith.cmpi eq, %get3A_699, %eq3A_703 : vector<16xi32>
    %jit3A_705 = arith.constant 0.000000e+00 : f32
    %broadcast_in_dim3A_706 = vector.broadcast %jit3A_705 : f32 to vector<16xf32>
    %select_n3A_707 = arith.select %eq3A_704, %get3A_702, %broadcast_in_dim3A_706 : vector<16xi1>, vector<16xf32>
    %add3A_708 = arith.addf %add3A_696, %select_n3A_707 : vector<16xf32>
    %swap3A_709 = arith.constant 96 : index
    %swap3A_710 = tpu.vector_load %arg7[%swap3A_709] {strides = array<i32>} : memref<128xf32, #tpu.memory_space<vmem>>, vector<16xf32>,
    %swap3A_711 = vector.shape_cast %swap3A_710 : vector<16xf32> to vector<16xf32>
    %swap3A_712 = vector.shape_cast %add3A_708 : vector<16xf32> to vector<16xf32>
    tpu.vector_store %arg7[%swap3A_709], %swap3A_712 {strides = array<i32>} : memref<128xf32, #tpu.memory_space<vmem>>, vector<16xf32>,
    %broadcast_in_dim3A_713 = arith.constant 0.000000e+00 : f32
    %broadcast_in_dim3A_714 = vector.broadcast %broadcast_in_dim3A_713 : f32 to vector<16xf32>
    %get3A_715 = arith.constant 112 : index
    %get3A_716 = tpu.vector_load %arg5[%get3A_715] {strides = array<i32>} : memref<1024xi32, #tpu.memory_space<vmem>>, vector<16xi32>,
    %get3A_717 = vector.shape_cast %get3A_716 : vector<16xi32> to vector<16xi32>
    %get3A_718 = arith.constant 112 : index
    %get3A_719 = tpu.vector_load %arg6[%get3A_718] {strides = array<i32>} : memref<1024xf32, #tpu.memory_space<vmem>>, vector<16xf32>,
    %get3A_720 = vector.shape_cast %get3A_719 : vector<16xf32> to vector<16xf32>
    %eq3A_721 = vector.broadcast %add3A_4 : i32 to vector<16xi32>
    %eq3A_722 = arith.cmpi eq, %get3A_717, %eq3A_721 : vector<16xi32>
    %jit3A_723 = arith.constant 0.000000e+00 : f32
    %broadcast_in_dim3A_724 = vector.broadcast %jit3A_723 : f32 to vector<16xf32>
    %select_n3A_725 = arith.select %eq3A_722, %get3A_720, %broadcast_in_dim3A_724 : vector<16xi1>, vector<16xf32>
    %add3A_726 = arith.addf %broadcast_in_dim3A_714, %select_n3A_725 : vector<16xf32>
    %get3A_727 = arith.constant 240 : index
    %get3A_728 = tpu.vector_load %arg5[%get3A_727] {strides = array<i32>} : memref<1024xi32, #tpu.memory_space<vmem>>, vector<16xi32>,
    %get3A_729 = vector.shape_cast %get3A_728 : vector<16xi32> to vector<16xi32>
    %get3A_730 = arith.constant 240 : index
    %get3A_731 = tpu.vector_load %arg6[%get3A_730] {strides = array<i32>} : memref<1024xf32, #tpu.memory_space<vmem>>, vector<16xf32>,
    %get3A_732 = vector.shape_cast %get3A_731 : vector<16xf32> to vector<16xf32>
    %eq3A_733 = vector.broadcast %add3A_4 : i32 to vector<16xi32>
    %eq3A_734 = arith.cmpi eq, %get3A_729, %eq3A_733 : vector<16xi32>
    %jit3A_735 = arith.constant 0.000000e+00 : f32
    %broadcast_in_dim3A_736 = vector.broadcast %jit3A_735 : f32 to vector<16xf32>
    %select_n3A_737 = arith.select %eq3A_734, %get3A_732, %broadcast_in_dim3A_736 : vector<16xi1>, vector<16xf32>
    %add3A_738 = arith.addf %add3A_726, %select_n3A_737 : vector<16xf32>
    %get3A_739 = arith.constant 368 : index
    %get3A_740 = tpu.vector_load %arg5[%get3A_739] {strides = array<i32>} : memref<1024xi32, #tpu.memory_space<vmem>>, vector<16xi32>,
    %get3A_741 = vector.shape_cast %get3A_740 : vector<16xi32> to vector<16xi32>
    %get3A_742 = arith.constant 368 : index
    %get3A_743 = tpu.vector_load %arg6[%get3A_742] {strides = array<i32>} : memref<1024xf32, #tpu.memory_space<vmem>>, vector<16xf32>,
    %get3A_744 = vector.shape_cast %get3A_743 : vector<16xf32> to vector<16xf32>
    %eq3A_745 = vector.broadcast %add3A_4 : i32 to vector<16xi32>
    %eq3A_746 = arith.cmpi eq, %get3A_741, %eq3A_745 : vector<16xi32>
    %jit3A_747 = arith.constant 0.000000e+00 : f32
    %broadcast_in_dim3A_748 = vector.broadcast %jit3A_747 : f32 to vector<16xf32>
    %select_n3A_749 = arith.select %eq3A_746, %get3A_744, %broadcast_in_dim3A_748 : vector<16xi1>, vector<16xf32>
    %add3A_750 = arith.addf %add3A_738, %select_n3A_749 : vector<16xf32>
    %get3A_751 = arith.constant 496 : index
    %get3A_752 = tpu.vector_load %arg5[%get3A_751] {strides = array<i32>} : memref<1024xi32, #tpu.memory_space<vmem>>, vector<16xi32>,
    %get3A_753 = vector.shape_cast %get3A_752 : vector<16xi32> to vector<16xi32>
    %get3A_754 = arith.constant 496 : index
    %get3A_755 = tpu.vector_load %arg6[%get3A_754] {strides = array<i32>} : memref<1024xf32, #tpu.memory_space<vmem>>, vector<16xf32>,
    %get3A_756 = vector.shape_cast %get3A_755 : vector<16xf32> to vector<16xf32>
    %eq3A_757 = vector.broadcast %add3A_4 : i32 to vector<16xi32>
    %eq3A_758 = arith.cmpi eq, %get3A_753, %eq3A_757 : vector<16xi32>
    %jit3A_759 = arith.constant 0.000000e+00 : f32
    %broadcast_in_dim3A_760 = vector.broadcast %jit3A_759 : f32 to vector<16xf32>
    %select_n3A_761 = arith.select %eq3A_758, %get3A_756, %broadcast_in_dim3A_760 : vector<16xi1>, vector<16xf32>
    %add3A_762 = arith.addf %add3A_750, %select_n3A_761 : vector<16xf32>
    %get3A_763 = arith.constant 624 : index
    %get3A_764 = tpu.vector_load %arg5[%get3A_763] {strides = array<i32>} : memref<1024xi32, #tpu.memory_space<vmem>>, vector<16xi32>,
    %get3A_765 = vector.shape_cast %get3A_764 : vector<16xi32> to vector<16xi32>
    %get3A_766 = arith.constant 624 : index
    %get3A_767 = tpu.vector_load %arg6[%get3A_766] {strides = array<i32>} : memref<1024xf32, #tpu.memory_space<vmem>>, vector<16xf32>,
    %get3A_768 = vector.shape_cast %get3A_767 : vector<16xf32> to vector<16xf32>
    %eq3A_769 = vector.broadcast %add3A_4 : i32 to vector<16xi32>
    %eq3A_770 = arith.cmpi eq, %get3A_765, %eq3A_769 : vector<16xi32>
    %jit3A_771 = arith.constant 0.000000e+00 : f32
    %broadcast_in_dim3A_772 = vector.broadcast %jit3A_771 : f32 to vector<16xf32>
    %select_n3A_773 = arith.select %eq3A_770, %get3A_768, %broadcast_in_dim3A_772 : vector<16xi1>, vector<16xf32>
    %add3A_774 = arith.addf %add3A_762, %select_n3A_773 : vector<16xf32>
    %get3A_775 = arith.constant 752 : index
    %get3A_776 = tpu.vector_load %arg5[%get3A_775] {strides = array<i32>} : memref<1024xi32, #tpu.memory_space<vmem>>, vector<16xi32>,
    %get3A_777 = vector.shape_cast %get3A_776 : vector<16xi32> to vector<16xi32>
    %get3A_778 = arith.constant 752 : index
    %get3A_779 = tpu.vector_load %arg6[%get3A_778] {strides = array<i32>} : memref<1024xf32, #tpu.memory_space<vmem>>, vector<16xf32>,
    %get3A_780 = vector.shape_cast %get3A_779 : vector<16xf32> to vector<16xf32>
    %eq3A_781 = vector.broadcast %add3A_4 : i32 to vector<16xi32>
    %eq3A_782 = arith.cmpi eq, %get3A_777, %eq3A_781 : vector<16xi32>
    %jit3A_783 = arith.constant 0.000000e+00 : f32
    %broadcast_in_dim3A_784 = vector.broadcast %jit3A_783 : f32 to vector<16xf32>
    %select_n3A_785 = arith.select %eq3A_782, %get3A_780, %broadcast_in_dim3A_784 : vector<16xi1>, vector<16xf32>
    %add3A_786 = arith.addf %add3A_774, %select_n3A_785 : vector<16xf32>
    %get3A_787 = arith.constant 880 : index
    %get3A_788 = tpu.vector_load %arg5[%get3A_787] {strides = array<i32>} : memref<1024xi32, #tpu.memory_space<vmem>>, vector<16xi32>,
    %get3A_789 = vector.shape_cast %get3A_788 : vector<16xi32> to vector<16xi32>
    %get3A_790 = arith.constant 880 : index
    %get3A_791 = tpu.vector_load %arg6[%get3A_790] {strides = array<i32>} : memref<1024xf32, #tpu.memory_space<vmem>>, vector<16xf32>,
    %get3A_792 = vector.shape_cast %get3A_791 : vector<16xf32> to vector<16xf32>
    %eq3A_793 = vector.broadcast %add3A_4 : i32 to vector<16xi32>
    %eq3A_794 = arith.cmpi eq, %get3A_789, %eq3A_793 : vector<16xi32>
    %jit3A_795 = arith.constant 0.000000e+00 : f32
    %broadcast_in_dim3A_796 = vector.broadcast %jit3A_795 : f32 to vector<16xf32>
    %select_n3A_797 = arith.select %eq3A_794, %get3A_792, %broadcast_in_dim3A_796 : vector<16xi1>, vector<16xf32>
    %add3A_798 = arith.addf %add3A_786, %select_n3A_797 : vector<16xf32>
    %get3A_799 = arith.constant 1008 : index
    %get3A_800 = tpu.vector_load %arg5[%get3A_799] {strides = array<i32>} : memref<1024xi32, #tpu.memory_space<vmem>>, vector<16xi32>,
    %get3A_801 = vector.shape_cast %get3A_800 : vector<16xi32> to vector<16xi32>
    %get3A_802 = arith.constant 1008 : index
    %get3A_803 = tpu.vector_load %arg6[%get3A_802] {strides = array<i32>} : memref<1024xf32, #tpu.memory_space<vmem>>, vector<16xf32>,
    %get3A_804 = vector.shape_cast %get3A_803 : vector<16xf32> to vector<16xf32>
    %eq3A_805 = vector.broadcast %add3A_4 : i32 to vector<16xi32>
    %eq3A_806 = arith.cmpi eq, %get3A_801, %eq3A_805 : vector<16xi32>
    %jit3A_807 = arith.constant 0.000000e+00 : f32
    %broadcast_in_dim3A_808 = vector.broadcast %jit3A_807 : f32 to vector<16xf32>
    %select_n3A_809 = arith.select %eq3A_806, %get3A_804, %broadcast_in_dim3A_808 : vector<16xi1>, vector<16xf32>
    %add3A_810 = arith.addf %add3A_798, %select_n3A_809 : vector<16xf32>
    %swap3A_811 = arith.constant 112 : index
    %swap3A_812 = tpu.vector_load %arg7[%swap3A_811] {strides = array<i32>} : memref<128xf32, #tpu.memory_space<vmem>>, vector<16xf32>,
    %swap3A_813 = vector.shape_cast %swap3A_812 : vector<16xf32> to vector<16xf32>
    %swap3A_814 = vector.shape_cast %add3A_810 : vector<16xf32> to vector<16xf32>
    tpu.vector_store %arg7[%swap3A_811], %swap3A_814 {strides = array<i32>} : memref<128xf32, #tpu.memory_space<vmem>>, vector<16xf32>,
    "tpu.region"() ({
      %run_scoped3A = tpu.sem_alloc : memref<!tpu.dma_semaphore, #tpu.memory_space<semaphore_mem>>
      %dma_start3A = arith.constant 0 : i32
      %dma_start3A_1635 = tpu.memref_slice %arg4[%add3A_4, %dma_start3A] : memref<64x128xf32, #tpu.memory_space<hbm>> -> memref<1x128xf32, #tpu.memory_space<hbm>>
      %dma_start3A_1636 = tpu.memref_squeeze %dma_start3A_1635 : memref<1x128xf32, #tpu.memory_space<hbm>> -> memref<128xf32, #tpu.memory_space<hbm>>
      %dma_start3A_1637 = arith.constant 0 : i32
      %dma_start3A_1638 = tpu.memref_slice %arg4[%add3A_4, %dma_start3A_1637] : memref<64x128xf32, #tpu.memory_space<hbm>> -> memref<1x128xf32, #tpu.memory_space<hbm>>
      %dma_start3A_1639 = tpu.memref_squeeze %dma_start3A_1638 : memref<1x128xf32, #tpu.memory_space<hbm>> -> memref<128xf32, #tpu.memory_space<hbm>>
      tpu.enqueue_dma source(%arg7 : memref<128xf32, #tpu.memory_space<vmem>>) target(%dma_start3A_1639 : memref<128xf32, #tpu.memory_space<hbm>>) target_semaphore(%run_scoped3A : memref<!tpu.dma_semaphore, #tpu.memory_space<semaphore_mem>>)
      %dma_wait3A = arith.constant 0 : i32
      %dma_wait3A_1640 = tpu.memref_slice %arg4[%add3A_4, %dma_wait3A] : memref<64x128xf32, #tpu.memory_space<hbm>> -> memref<1x128xf32, #tpu.memory_space<hbm>>
      %dma_wait3A_1641 = tpu.memref_squeeze %dma_wait3A_1640 : memref<1x128xf32, #tpu.memory_space<hbm>> -> memref<128xf32, #tpu.memory_space<hbm>>
      %dma_wait3A_1642 = arith.constant 0 : i32
      %dma_wait3A_1643 = tpu.memref_slice %arg4[%add3A_4, %dma_wait3A_1642] : memref<64x128xf32, #tpu.memory_space<hbm>> -> memref<1x128xf32, #tpu.memory_space<hbm>>
      %dma_wait3A_1644 = tpu.memref_squeeze %dma_wait3A_1643 : memref<1x128xf32, #tpu.memory_space<hbm>> -> memref<128xf32, #tpu.memory_space<hbm>>
      tpu.wait_dma2 semaphore(%run_scoped3A : memref<!tpu.dma_semaphore, #tpu.memory_space<semaphore_mem>>) src(%arg7 : memref<128xf32, #tpu.memory_space<vmem>>) dst(%dma_wait3A_1644 : memref<128xf32, #tpu.memory_space<hbm>>)
      tpu.yield
    }) : () -> ()
    %mul3A_815 = arith.constant 2 : i32
    %mul3A_816 = arith.muli %add3A, %mul3A_815 : i32
    %add3A_817 = arith.constant 1 : i32
    %add3A_818 = arith.addi %mul3A_816, %add3A_817 : i32
    %broadcast_in_dim3A_819 = arith.constant 0.000000e+00 : f32
    %broadcast_in_dim3A_820 = vector.broadcast %broadcast_in_dim3A_819 : f32 to vector<16xf32>
    %get3A_821 = arith.constant 0 : index
    %get3A_822 = tpu.vector_load %arg5[%get3A_821] {strides = array<i32>} : memref<1024xi32, #tpu.memory_space<vmem>>, vector<16xi32>,
    %get3A_823 = vector.shape_cast %get3A_822 : vector<16xi32> to vector<16xi32>
    %get3A_824 = arith.constant 0 : index
    %get3A_825 = tpu.vector_load %arg6[%get3A_824] {strides = array<i32>} : memref<1024xf32, #tpu.memory_space<vmem>>, vector<16xf32>,
    %get3A_826 = vector.shape_cast %get3A_825 : vector<16xf32> to vector<16xf32>
    %eq3A_827 = vector.broadcast %add3A_818 : i32 to vector<16xi32>
    %eq3A_828 = arith.cmpi eq, %get3A_823, %eq3A_827 : vector<16xi32>
    %jit3A_829 = arith.constant 0.000000e+00 : f32
    %broadcast_in_dim3A_830 = vector.broadcast %jit3A_829 : f32 to vector<16xf32>
    %select_n3A_831 = arith.select %eq3A_828, %get3A_826, %broadcast_in_dim3A_830 : vector<16xi1>, vector<16xf32>
    %add3A_832 = arith.addf %broadcast_in_dim3A_820, %select_n3A_831 : vector<16xf32>
    %get3A_833 = arith.constant 128 : index
    %get3A_834 = tpu.vector_load %arg5[%get3A_833] {strides = array<i32>} : memref<1024xi32, #tpu.memory_space<vmem>>, vector<16xi32>,
    %get3A_835 = vector.shape_cast %get3A_834 : vector<16xi32> to vector<16xi32>
    %get3A_836 = arith.constant 128 : index
    %get3A_837 = tpu.vector_load %arg6[%get3A_836] {strides = array<i32>} : memref<1024xf32, #tpu.memory_space<vmem>>, vector<16xf32>,
    %get3A_838 = vector.shape_cast %get3A_837 : vector<16xf32> to vector<16xf32>
    %eq3A_839 = vector.broadcast %add3A_818 : i32 to vector<16xi32>
    %eq3A_840 = arith.cmpi eq, %get3A_835, %eq3A_839 : vector<16xi32>
    %jit3A_841 = arith.constant 0.000000e+00 : f32
    %broadcast_in_dim3A_842 = vector.broadcast %jit3A_841 : f32 to vector<16xf32>
    %select_n3A_843 = arith.select %eq3A_840, %get3A_838, %broadcast_in_dim3A_842 : vector<16xi1>, vector<16xf32>
    %add3A_844 = arith.addf %add3A_832, %select_n3A_843 : vector<16xf32>
    %get3A_845 = arith.constant 256 : index
    %get3A_846 = tpu.vector_load %arg5[%get3A_845] {strides = array<i32>} : memref<1024xi32, #tpu.memory_space<vmem>>, vector<16xi32>,
    %get3A_847 = vector.shape_cast %get3A_846 : vector<16xi32> to vector<16xi32>
    %get3A_848 = arith.constant 256 : index
    %get3A_849 = tpu.vector_load %arg6[%get3A_848] {strides = array<i32>} : memref<1024xf32, #tpu.memory_space<vmem>>, vector<16xf32>,
    %get3A_850 = vector.shape_cast %get3A_849 : vector<16xf32> to vector<16xf32>
    %eq3A_851 = vector.broadcast %add3A_818 : i32 to vector<16xi32>
    %eq3A_852 = arith.cmpi eq, %get3A_847, %eq3A_851 : vector<16xi32>
    %jit3A_853 = arith.constant 0.000000e+00 : f32
    %broadcast_in_dim3A_854 = vector.broadcast %jit3A_853 : f32 to vector<16xf32>
    %select_n3A_855 = arith.select %eq3A_852, %get3A_850, %broadcast_in_dim3A_854 : vector<16xi1>, vector<16xf32>
    %add3A_856 = arith.addf %add3A_844, %select_n3A_855 : vector<16xf32>
    %get3A_857 = arith.constant 384 : index
    %get3A_858 = tpu.vector_load %arg5[%get3A_857] {strides = array<i32>} : memref<1024xi32, #tpu.memory_space<vmem>>, vector<16xi32>,
    %get3A_859 = vector.shape_cast %get3A_858 : vector<16xi32> to vector<16xi32>
    %get3A_860 = arith.constant 384 : index
    %get3A_861 = tpu.vector_load %arg6[%get3A_860] {strides = array<i32>} : memref<1024xf32, #tpu.memory_space<vmem>>, vector<16xf32>,
    %get3A_862 = vector.shape_cast %get3A_861 : vector<16xf32> to vector<16xf32>
    %eq3A_863 = vector.broadcast %add3A_818 : i32 to vector<16xi32>
    %eq3A_864 = arith.cmpi eq, %get3A_859, %eq3A_863 : vector<16xi32>
    %jit3A_865 = arith.constant 0.000000e+00 : f32
    %broadcast_in_dim3A_866 = vector.broadcast %jit3A_865 : f32 to vector<16xf32>
    %select_n3A_867 = arith.select %eq3A_864, %get3A_862, %broadcast_in_dim3A_866 : vector<16xi1>, vector<16xf32>
    %add3A_868 = arith.addf %add3A_856, %select_n3A_867 : vector<16xf32>
    %get3A_869 = arith.constant 512 : index
    %get3A_870 = tpu.vector_load %arg5[%get3A_869] {strides = array<i32>} : memref<1024xi32, #tpu.memory_space<vmem>>, vector<16xi32>,
    %get3A_871 = vector.shape_cast %get3A_870 : vector<16xi32> to vector<16xi32>
    %get3A_872 = arith.constant 512 : index
    %get3A_873 = tpu.vector_load %arg6[%get3A_872] {strides = array<i32>} : memref<1024xf32, #tpu.memory_space<vmem>>, vector<16xf32>,
    %get3A_874 = vector.shape_cast %get3A_873 : vector<16xf32> to vector<16xf32>
    %eq3A_875 = vector.broadcast %add3A_818 : i32 to vector<16xi32>
    %eq3A_876 = arith.cmpi eq, %get3A_871, %eq3A_875 : vector<16xi32>
    %jit3A_877 = arith.constant 0.000000e+00 : f32
    %broadcast_in_dim3A_878 = vector.broadcast %jit3A_877 : f32 to vector<16xf32>
    %select_n3A_879 = arith.select %eq3A_876, %get3A_874, %broadcast_in_dim3A_878 : vector<16xi1>, vector<16xf32>
    %add3A_880 = arith.addf %add3A_868, %select_n3A_879 : vector<16xf32>
    %get3A_881 = arith.constant 640 : index
    %get3A_882 = tpu.vector_load %arg5[%get3A_881] {strides = array<i32>} : memref<1024xi32, #tpu.memory_space<vmem>>, vector<16xi32>,
    %get3A_883 = vector.shape_cast %get3A_882 : vector<16xi32> to vector<16xi32>
    %get3A_884 = arith.constant 640 : index
    %get3A_885 = tpu.vector_load %arg6[%get3A_884] {strides = array<i32>} : memref<1024xf32, #tpu.memory_space<vmem>>, vector<16xf32>,
    %get3A_886 = vector.shape_cast %get3A_885 : vector<16xf32> to vector<16xf32>
    %eq3A_887 = vector.broadcast %add3A_818 : i32 to vector<16xi32>
    %eq3A_888 = arith.cmpi eq, %get3A_883, %eq3A_887 : vector<16xi32>
    %jit3A_889 = arith.constant 0.000000e+00 : f32
    %broadcast_in_dim3A_890 = vector.broadcast %jit3A_889 : f32 to vector<16xf32>
    %select_n3A_891 = arith.select %eq3A_888, %get3A_886, %broadcast_in_dim3A_890 : vector<16xi1>, vector<16xf32>
    %add3A_892 = arith.addf %add3A_880, %select_n3A_891 : vector<16xf32>
    %get3A_893 = arith.constant 768 : index
    %get3A_894 = tpu.vector_load %arg5[%get3A_893] {strides = array<i32>} : memref<1024xi32, #tpu.memory_space<vmem>>, vector<16xi32>,
    %get3A_895 = vector.shape_cast %get3A_894 : vector<16xi32> to vector<16xi32>
    %get3A_896 = arith.constant 768 : index
    %get3A_897 = tpu.vector_load %arg6[%get3A_896] {strides = array<i32>} : memref<1024xf32, #tpu.memory_space<vmem>>, vector<16xf32>,
    %get3A_898 = vector.shape_cast %get3A_897 : vector<16xf32> to vector<16xf32>
    %eq3A_899 = vector.broadcast %add3A_818 : i32 to vector<16xi32>
    %eq3A_900 = arith.cmpi eq, %get3A_895, %eq3A_899 : vector<16xi32>
    %jit3A_901 = arith.constant 0.000000e+00 : f32
    %broadcast_in_dim3A_902 = vector.broadcast %jit3A_901 : f32 to vector<16xf32>
    %select_n3A_903 = arith.select %eq3A_900, %get3A_898, %broadcast_in_dim3A_902 : vector<16xi1>, vector<16xf32>
    %add3A_904 = arith.addf %add3A_892, %select_n3A_903 : vector<16xf32>
    %get3A_905 = arith.constant 896 : index
    %get3A_906 = tpu.vector_load %arg5[%get3A_905] {strides = array<i32>} : memref<1024xi32, #tpu.memory_space<vmem>>, vector<16xi32>,
    %get3A_907 = vector.shape_cast %get3A_906 : vector<16xi32> to vector<16xi32>
    %get3A_908 = arith.constant 896 : index
    %get3A_909 = tpu.vector_load %arg6[%get3A_908] {strides = array<i32>} : memref<1024xf32, #tpu.memory_space<vmem>>, vector<16xf32>,
    %get3A_910 = vector.shape_cast %get3A_909 : vector<16xf32> to vector<16xf32>
    %eq3A_911 = vector.broadcast %add3A_818 : i32 to vector<16xi32>
    %eq3A_912 = arith.cmpi eq, %get3A_907, %eq3A_911 : vector<16xi32>
    %jit3A_913 = arith.constant 0.000000e+00 : f32
    %broadcast_in_dim3A_914 = vector.broadcast %jit3A_913 : f32 to vector<16xf32>
    %select_n3A_915 = arith.select %eq3A_912, %get3A_910, %broadcast_in_dim3A_914 : vector<16xi1>, vector<16xf32>
    %add3A_916 = arith.addf %add3A_904, %select_n3A_915 : vector<16xf32>
    %swap3A_917 = arith.constant 0 : index
    %swap3A_918 = tpu.vector_load %arg7[%swap3A_917] {strides = array<i32>} : memref<128xf32, #tpu.memory_space<vmem>>, vector<16xf32>,
    %swap3A_919 = vector.shape_cast %swap3A_918 : vector<16xf32> to vector<16xf32>
    %swap3A_920 = vector.shape_cast %add3A_916 : vector<16xf32> to vector<16xf32>
    tpu.vector_store %arg7[%swap3A_917], %swap3A_920 {strides = array<i32>} : memref<128xf32, #tpu.memory_space<vmem>>, vector<16xf32>,
    %broadcast_in_dim3A_921 = arith.constant 0.000000e+00 : f32
    %broadcast_in_dim3A_922 = vector.broadcast %broadcast_in_dim3A_921 : f32 to vector<16xf32>
    %get3A_923 = arith.constant 16 : index
    %get3A_924 = tpu.vector_load %arg5[%get3A_923] {strides = array<i32>} : memref<1024xi32, #tpu.memory_space<vmem>>, vector<16xi32>,
    %get3A_925 = vector.shape_cast %get3A_924 : vector<16xi32> to vector<16xi32>
    %get3A_926 = arith.constant 16 : index
    %get3A_927 = tpu.vector_load %arg6[%get3A_926] {strides = array<i32>} : memref<1024xf32, #tpu.memory_space<vmem>>, vector<16xf32>,
    %get3A_928 = vector.shape_cast %get3A_927 : vector<16xf32> to vector<16xf32>
    %eq3A_929 = vector.broadcast %add3A_818 : i32 to vector<16xi32>
    %eq3A_930 = arith.cmpi eq, %get3A_925, %eq3A_929 : vector<16xi32>
    %jit3A_931 = arith.constant 0.000000e+00 : f32
    %broadcast_in_dim3A_932 = vector.broadcast %jit3A_931 : f32 to vector<16xf32>
    %select_n3A_933 = arith.select %eq3A_930, %get3A_928, %broadcast_in_dim3A_932 : vector<16xi1>, vector<16xf32>
    %add3A_934 = arith.addf %broadcast_in_dim3A_922, %select_n3A_933 : vector<16xf32>
    %get3A_935 = arith.constant 144 : index
    %get3A_936 = tpu.vector_load %arg5[%get3A_935] {strides = array<i32>} : memref<1024xi32, #tpu.memory_space<vmem>>, vector<16xi32>,
    %get3A_937 = vector.shape_cast %get3A_936 : vector<16xi32> to vector<16xi32>
    %get3A_938 = arith.constant 144 : index
    %get3A_939 = tpu.vector_load %arg6[%get3A_938] {strides = array<i32>} : memref<1024xf32, #tpu.memory_space<vmem>>, vector<16xf32>,
    %get3A_940 = vector.shape_cast %get3A_939 : vector<16xf32> to vector<16xf32>
    %eq3A_941 = vector.broadcast %add3A_818 : i32 to vector<16xi32>
    %eq3A_942 = arith.cmpi eq, %get3A_937, %eq3A_941 : vector<16xi32>
    %jit3A_943 = arith.constant 0.000000e+00 : f32
    %broadcast_in_dim3A_944 = vector.broadcast %jit3A_943 : f32 to vector<16xf32>
    %select_n3A_945 = arith.select %eq3A_942, %get3A_940, %broadcast_in_dim3A_944 : vector<16xi1>, vector<16xf32>
    %add3A_946 = arith.addf %add3A_934, %select_n3A_945 : vector<16xf32>
    %get3A_947 = arith.constant 272 : index
    %get3A_948 = tpu.vector_load %arg5[%get3A_947] {strides = array<i32>} : memref<1024xi32, #tpu.memory_space<vmem>>, vector<16xi32>,
    %get3A_949 = vector.shape_cast %get3A_948 : vector<16xi32> to vector<16xi32>
    %get3A_950 = arith.constant 272 : index
    %get3A_951 = tpu.vector_load %arg6[%get3A_950] {strides = array<i32>} : memref<1024xf32, #tpu.memory_space<vmem>>, vector<16xf32>,
    %get3A_952 = vector.shape_cast %get3A_951 : vector<16xf32> to vector<16xf32>
    %eq3A_953 = vector.broadcast %add3A_818 : i32 to vector<16xi32>
    %eq3A_954 = arith.cmpi eq, %get3A_949, %eq3A_953 : vector<16xi32>
    %jit3A_955 = arith.constant 0.000000e+00 : f32
    %broadcast_in_dim3A_956 = vector.broadcast %jit3A_955 : f32 to vector<16xf32>
    %select_n3A_957 = arith.select %eq3A_954, %get3A_952, %broadcast_in_dim3A_956 : vector<16xi1>, vector<16xf32>
    %add3A_958 = arith.addf %add3A_946, %select_n3A_957 : vector<16xf32>
    %get3A_959 = arith.constant 400 : index
    %get3A_960 = tpu.vector_load %arg5[%get3A_959] {strides = array<i32>} : memref<1024xi32, #tpu.memory_space<vmem>>, vector<16xi32>,
    %get3A_961 = vector.shape_cast %get3A_960 : vector<16xi32> to vector<16xi32>
    %get3A_962 = arith.constant 400 : index
    %get3A_963 = tpu.vector_load %arg6[%get3A_962] {strides = array<i32>} : memref<1024xf32, #tpu.memory_space<vmem>>, vector<16xf32>,
    %get3A_964 = vector.shape_cast %get3A_963 : vector<16xf32> to vector<16xf32>
    %eq3A_965 = vector.broadcast %add3A_818 : i32 to vector<16xi32>
    %eq3A_966 = arith.cmpi eq, %get3A_961, %eq3A_965 : vector<16xi32>
    %jit3A_967 = arith.constant 0.000000e+00 : f32
    %broadcast_in_dim3A_968 = vector.broadcast %jit3A_967 : f32 to vector<16xf32>
    %select_n3A_969 = arith.select %eq3A_966, %get3A_964, %broadcast_in_dim3A_968 : vector<16xi1>, vector<16xf32>
    %add3A_970 = arith.addf %add3A_958, %select_n3A_969 : vector<16xf32>
    %get3A_971 = arith.constant 528 : index
    %get3A_972 = tpu.vector_load %arg5[%get3A_971] {strides = array<i32>} : memref<1024xi32, #tpu.memory_space<vmem>>, vector<16xi32>,
    %get3A_973 = vector.shape_cast %get3A_972 : vector<16xi32> to vector<16xi32>
    %get3A_974 = arith.constant 528 : index
    %get3A_975 = tpu.vector_load %arg6[%get3A_974] {strides = array<i32>} : memref<1024xf32, #tpu.memory_space<vmem>>, vector<16xf32>,
    %get3A_976 = vector.shape_cast %get3A_975 : vector<16xf32> to vector<16xf32>
    %eq3A_977 = vector.broadcast %add3A_818 : i32 to vector<16xi32>
    %eq3A_978 = arith.cmpi eq, %get3A_973, %eq3A_977 : vector<16xi32>
    %jit3A_979 = arith.constant 0.000000e+00 : f32
    %broadcast_in_dim3A_980 = vector.broadcast %jit3A_979 : f32 to vector<16xf32>
    %select_n3A_981 = arith.select %eq3A_978, %get3A_976, %broadcast_in_dim3A_980 : vector<16xi1>, vector<16xf32>
    %add3A_982 = arith.addf %add3A_970, %select_n3A_981 : vector<16xf32>
    %get3A_983 = arith.constant 656 : index
    %get3A_984 = tpu.vector_load %arg5[%get3A_983] {strides = array<i32>} : memref<1024xi32, #tpu.memory_space<vmem>>, vector<16xi32>,
    %get3A_985 = vector.shape_cast %get3A_984 : vector<16xi32> to vector<16xi32>
    %get3A_986 = arith.constant 656 : index
    %get3A_987 = tpu.vector_load %arg6[%get3A_986] {strides = array<i32>} : memref<1024xf32, #tpu.memory_space<vmem>>, vector<16xf32>,
    %get3A_988 = vector.shape_cast %get3A_987 : vector<16xf32> to vector<16xf32>
    %eq3A_989 = vector.broadcast %add3A_818 : i32 to vector<16xi32>
    %eq3A_990 = arith.cmpi eq, %get3A_985, %eq3A_989 : vector<16xi32>
    %jit3A_991 = arith.constant 0.000000e+00 : f32
    %broadcast_in_dim3A_992 = vector.broadcast %jit3A_991 : f32 to vector<16xf32>
    %select_n3A_993 = arith.select %eq3A_990, %get3A_988, %broadcast_in_dim3A_992 : vector<16xi1>, vector<16xf32>
    %add3A_994 = arith.addf %add3A_982, %select_n3A_993 : vector<16xf32>
    %get3A_995 = arith.constant 784 : index
    %get3A_996 = tpu.vector_load %arg5[%get3A_995] {strides = array<i32>} : memref<1024xi32, #tpu.memory_space<vmem>>, vector<16xi32>,
    %get3A_997 = vector.shape_cast %get3A_996 : vector<16xi32> to vector<16xi32>
    %get3A_998 = arith.constant 784 : index
    %get3A_999 = tpu.vector_load %arg6[%get3A_998] {strides = array<i32>} : memref<1024xf32, #tpu.memory_space<vmem>>, vector<16xf32>,
    %get3A_1000 = vector.shape_cast %get3A_999 : vector<16xf32> to vector<16xf32>
    %eq3A_1001 = vector.broadcast %add3A_818 : i32 to vector<16xi32>
    %eq3A_1002 = arith.cmpi eq, %get3A_997, %eq3A_1001 : vector<16xi32>
    %jit3A_1003 = arith.constant 0.000000e+00 : f32
    %broadcast_in_dim3A_1004 = vector.broadcast %jit3A_1003 : f32 to vector<16xf32>
    %select_n3A_1005 = arith.select %eq3A_1002, %get3A_1000, %broadcast_in_dim3A_1004 : vector<16xi1>, vector<16xf32>
    %add3A_1006 = arith.addf %add3A_994, %select_n3A_1005 : vector<16xf32>
    %get3A_1007 = arith.constant 912 : index
    %get3A_1008 = tpu.vector_load %arg5[%get3A_1007] {strides = array<i32>} : memref<1024xi32, #tpu.memory_space<vmem>>, vector<16xi32>,
    %get3A_1009 = vector.shape_cast %get3A_1008 : vector<16xi32> to vector<16xi32>
    %get3A_1010 = arith.constant 912 : index
    %get3A_1011 = tpu.vector_load %arg6[%get3A_1010] {strides = array<i32>} : memref<1024xf32, #tpu.memory_space<vmem>>, vector<16xf32>,
    %get3A_1012 = vector.shape_cast %get3A_1011 : vector<16xf32> to vector<16xf32>
    %eq3A_1013 = vector.broadcast %add3A_818 : i32 to vector<16xi32>
    %eq3A_1014 = arith.cmpi eq, %get3A_1009, %eq3A_1013 : vector<16xi32>
    %jit3A_1015 = arith.constant 0.000000e+00 : f32
    %broadcast_in_dim3A_1016 = vector.broadcast %jit3A_1015 : f32 to vector<16xf32>
    %select_n3A_1017 = arith.select %eq3A_1014, %get3A_1012, %broadcast_in_dim3A_1016 : vector<16xi1>, vector<16xf32>
    %add3A_1018 = arith.addf %add3A_1006, %select_n3A_1017 : vector<16xf32>
    %swap3A_1019 = arith.constant 16 : index
    %swap3A_1020 = tpu.vector_load %arg7[%swap3A_1019] {strides = array<i32>} : memref<128xf32, #tpu.memory_space<vmem>>, vector<16xf32>,
    %swap3A_1021 = vector.shape_cast %swap3A_1020 : vector<16xf32> to vector<16xf32>
    %swap3A_1022 = vector.shape_cast %add3A_1018 : vector<16xf32> to vector<16xf32>
    tpu.vector_store %arg7[%swap3A_1019], %swap3A_1022 {strides = array<i32>} : memref<128xf32, #tpu.memory_space<vmem>>, vector<16xf32>,
    %broadcast_in_dim3A_1023 = arith.constant 0.000000e+00 : f32
    %broadcast_in_dim3A_1024 = vector.broadcast %broadcast_in_dim3A_1023 : f32 to vector<16xf32>
    %get3A_1025 = arith.constant 32 : index
    %get3A_1026 = tpu.vector_load %arg5[%get3A_1025] {strides = array<i32>} : memref<1024xi32, #tpu.memory_space<vmem>>, vector<16xi32>,
    %get3A_1027 = vector.shape_cast %get3A_1026 : vector<16xi32> to vector<16xi32>
    %get3A_1028 = arith.constant 32 : index
    %get3A_1029 = tpu.vector_load %arg6[%get3A_1028] {strides = array<i32>} : memref<1024xf32, #tpu.memory_space<vmem>>, vector<16xf32>,
    %get3A_1030 = vector.shape_cast %get3A_1029 : vector<16xf32> to vector<16xf32>
    %eq3A_1031 = vector.broadcast %add3A_818 : i32 to vector<16xi32>
    %eq3A_1032 = arith.cmpi eq, %get3A_1027, %eq3A_1031 : vector<16xi32>
    %jit3A_1033 = arith.constant 0.000000e+00 : f32
    %broadcast_in_dim3A_1034 = vector.broadcast %jit3A_1033 : f32 to vector<16xf32>
    %select_n3A_1035 = arith.select %eq3A_1032, %get3A_1030, %broadcast_in_dim3A_1034 : vector<16xi1>, vector<16xf32>
    %add3A_1036 = arith.addf %broadcast_in_dim3A_1024, %select_n3A_1035 : vector<16xf32>
    %get3A_1037 = arith.constant 160 : index
    %get3A_1038 = tpu.vector_load %arg5[%get3A_1037] {strides = array<i32>} : memref<1024xi32, #tpu.memory_space<vmem>>, vector<16xi32>,
    %get3A_1039 = vector.shape_cast %get3A_1038 : vector<16xi32> to vector<16xi32>
    %get3A_1040 = arith.constant 160 : index
    %get3A_1041 = tpu.vector_load %arg6[%get3A_1040] {strides = array<i32>} : memref<1024xf32, #tpu.memory_space<vmem>>, vector<16xf32>,
    %get3A_1042 = vector.shape_cast %get3A_1041 : vector<16xf32> to vector<16xf32>
    %eq3A_1043 = vector.broadcast %add3A_818 : i32 to vector<16xi32>
    %eq3A_1044 = arith.cmpi eq, %get3A_1039, %eq3A_1043 : vector<16xi32>
    %jit3A_1045 = arith.constant 0.000000e+00 : f32
    %broadcast_in_dim3A_1046 = vector.broadcast %jit3A_1045 : f32 to vector<16xf32>
    %select_n3A_1047 = arith.select %eq3A_1044, %get3A_1042, %broadcast_in_dim3A_1046 : vector<16xi1>, vector<16xf32>
    %add3A_1048 = arith.addf %add3A_1036, %select_n3A_1047 : vector<16xf32>
    %get3A_1049 = arith.constant 288 : index
    %get3A_1050 = tpu.vector_load %arg5[%get3A_1049] {strides = array<i32>} : memref<1024xi32, #tpu.memory_space<vmem>>, vector<16xi32>,
    %get3A_1051 = vector.shape_cast %get3A_1050 : vector<16xi32> to vector<16xi32>
    %get3A_1052 = arith.constant 288 : index
    %get3A_1053 = tpu.vector_load %arg6[%get3A_1052] {strides = array<i32>} : memref<1024xf32, #tpu.memory_space<vmem>>, vector<16xf32>,
    %get3A_1054 = vector.shape_cast %get3A_1053 : vector<16xf32> to vector<16xf32>
    %eq3A_1055 = vector.broadcast %add3A_818 : i32 to vector<16xi32>
    %eq3A_1056 = arith.cmpi eq, %get3A_1051, %eq3A_1055 : vector<16xi32>
    %jit3A_1057 = arith.constant 0.000000e+00 : f32
    %broadcast_in_dim3A_1058 = vector.broadcast %jit3A_1057 : f32 to vector<16xf32>
    %select_n3A_1059 = arith.select %eq3A_1056, %get3A_1054, %broadcast_in_dim3A_1058 : vector<16xi1>, vector<16xf32>
    %add3A_1060 = arith.addf %add3A_1048, %select_n3A_1059 : vector<16xf32>
    %get3A_1061 = arith.constant 416 : index
    %get3A_1062 = tpu.vector_load %arg5[%get3A_1061] {strides = array<i32>} : memref<1024xi32, #tpu.memory_space<vmem>>, vector<16xi32>,
    %get3A_1063 = vector.shape_cast %get3A_1062 : vector<16xi32> to vector<16xi32>
    %get3A_1064 = arith.constant 416 : index
    %get3A_1065 = tpu.vector_load %arg6[%get3A_1064] {strides = array<i32>} : memref<1024xf32, #tpu.memory_space<vmem>>, vector<16xf32>,
    %get3A_1066 = vector.shape_cast %get3A_1065 : vector<16xf32> to vector<16xf32>
    %eq3A_1067 = vector.broadcast %add3A_818 : i32 to vector<16xi32>
    %eq3A_1068 = arith.cmpi eq, %get3A_1063, %eq3A_1067 : vector<16xi32>
    %jit3A_1069 = arith.constant 0.000000e+00 : f32
    %broadcast_in_dim3A_1070 = vector.broadcast %jit3A_1069 : f32 to vector<16xf32>
    %select_n3A_1071 = arith.select %eq3A_1068, %get3A_1066, %broadcast_in_dim3A_1070 : vector<16xi1>, vector<16xf32>
    %add3A_1072 = arith.addf %add3A_1060, %select_n3A_1071 : vector<16xf32>
    %get3A_1073 = arith.constant 544 : index
    %get3A_1074 = tpu.vector_load %arg5[%get3A_1073] {strides = array<i32>} : memref<1024xi32, #tpu.memory_space<vmem>>, vector<16xi32>,
    %get3A_1075 = vector.shape_cast %get3A_1074 : vector<16xi32> to vector<16xi32>
    %get3A_1076 = arith.constant 544 : index
    %get3A_1077 = tpu.vector_load %arg6[%get3A_1076] {strides = array<i32>} : memref<1024xf32, #tpu.memory_space<vmem>>, vector<16xf32>,
    %get3A_1078 = vector.shape_cast %get3A_1077 : vector<16xf32> to vector<16xf32>
    %eq3A_1079 = vector.broadcast %add3A_818 : i32 to vector<16xi32>
    %eq3A_1080 = arith.cmpi eq, %get3A_1075, %eq3A_1079 : vector<16xi32>
    %jit3A_1081 = arith.constant 0.000000e+00 : f32
    %broadcast_in_dim3A_1082 = vector.broadcast %jit3A_1081 : f32 to vector<16xf32>
    %select_n3A_1083 = arith.select %eq3A_1080, %get3A_1078, %broadcast_in_dim3A_1082 : vector<16xi1>, vector<16xf32>
    %add3A_1084 = arith.addf %add3A_1072, %select_n3A_1083 : vector<16xf32>
    %get3A_1085 = arith.constant 672 : index
    %get3A_1086 = tpu.vector_load %arg5[%get3A_1085] {strides = array<i32>} : memref<1024xi32, #tpu.memory_space<vmem>>, vector<16xi32>,
    %get3A_1087 = vector.shape_cast %get3A_1086 : vector<16xi32> to vector<16xi32>
    %get3A_1088 = arith.constant 672 : index
    %get3A_1089 = tpu.vector_load %arg6[%get3A_1088] {strides = array<i32>} : memref<1024xf32, #tpu.memory_space<vmem>>, vector<16xf32>,
    %get3A_1090 = vector.shape_cast %get3A_1089 : vector<16xf32> to vector<16xf32>
    %eq3A_1091 = vector.broadcast %add3A_818 : i32 to vector<16xi32>
    %eq3A_1092 = arith.cmpi eq, %get3A_1087, %eq3A_1091 : vector<16xi32>
    %jit3A_1093 = arith.constant 0.000000e+00 : f32
    %broadcast_in_dim3A_1094 = vector.broadcast %jit3A_1093 : f32 to vector<16xf32>
    %select_n3A_1095 = arith.select %eq3A_1092, %get3A_1090, %broadcast_in_dim3A_1094 : vector<16xi1>, vector<16xf32>
    %add3A_1096 = arith.addf %add3A_1084, %select_n3A_1095 : vector<16xf32>
    %get3A_1097 = arith.constant 800 : index
    %get3A_1098 = tpu.vector_load %arg5[%get3A_1097] {strides = array<i32>} : memref<1024xi32, #tpu.memory_space<vmem>>, vector<16xi32>,
    %get3A_1099 = vector.shape_cast %get3A_1098 : vector<16xi32> to vector<16xi32>
    %get3A_1100 = arith.constant 800 : index
    %get3A_1101 = tpu.vector_load %arg6[%get3A_1100] {strides = array<i32>} : memref<1024xf32, #tpu.memory_space<vmem>>, vector<16xf32>,
    %get3A_1102 = vector.shape_cast %get3A_1101 : vector<16xf32> to vector<16xf32>
    %eq3A_1103 = vector.broadcast %add3A_818 : i32 to vector<16xi32>
    %eq3A_1104 = arith.cmpi eq, %get3A_1099, %eq3A_1103 : vector<16xi32>
    %jit3A_1105 = arith.constant 0.000000e+00 : f32
    %broadcast_in_dim3A_1106 = vector.broadcast %jit3A_1105 : f32 to vector<16xf32>
    %select_n3A_1107 = arith.select %eq3A_1104, %get3A_1102, %broadcast_in_dim3A_1106 : vector<16xi1>, vector<16xf32>
    %add3A_1108 = arith.addf %add3A_1096, %select_n3A_1107 : vector<16xf32>
    %get3A_1109 = arith.constant 928 : index
    %get3A_1110 = tpu.vector_load %arg5[%get3A_1109] {strides = array<i32>} : memref<1024xi32, #tpu.memory_space<vmem>>, vector<16xi32>,
    %get3A_1111 = vector.shape_cast %get3A_1110 : vector<16xi32> to vector<16xi32>
    %get3A_1112 = arith.constant 928 : index
    %get3A_1113 = tpu.vector_load %arg6[%get3A_1112] {strides = array<i32>} : memref<1024xf32, #tpu.memory_space<vmem>>, vector<16xf32>,
    %get3A_1114 = vector.shape_cast %get3A_1113 : vector<16xf32> to vector<16xf32>
    %eq3A_1115 = vector.broadcast %add3A_818 : i32 to vector<16xi32>
    %eq3A_1116 = arith.cmpi eq, %get3A_1111, %eq3A_1115 : vector<16xi32>
    %jit3A_1117 = arith.constant 0.000000e+00 : f32
    %broadcast_in_dim3A_1118 = vector.broadcast %jit3A_1117 : f32 to vector<16xf32>
    %select_n3A_1119 = arith.select %eq3A_1116, %get3A_1114, %broadcast_in_dim3A_1118 : vector<16xi1>, vector<16xf32>
    %add3A_1120 = arith.addf %add3A_1108, %select_n3A_1119 : vector<16xf32>
    %swap3A_1121 = arith.constant 32 : index
    %swap3A_1122 = tpu.vector_load %arg7[%swap3A_1121] {strides = array<i32>} : memref<128xf32, #tpu.memory_space<vmem>>, vector<16xf32>,
    %swap3A_1123 = vector.shape_cast %swap3A_1122 : vector<16xf32> to vector<16xf32>
    %swap3A_1124 = vector.shape_cast %add3A_1120 : vector<16xf32> to vector<16xf32>
    tpu.vector_store %arg7[%swap3A_1121], %swap3A_1124 {strides = array<i32>} : memref<128xf32, #tpu.memory_space<vmem>>, vector<16xf32>,
    %broadcast_in_dim3A_1125 = arith.constant 0.000000e+00 : f32
    %broadcast_in_dim3A_1126 = vector.broadcast %broadcast_in_dim3A_1125 : f32 to vector<16xf32>
    %get3A_1127 = arith.constant 48 : index
    %get3A_1128 = tpu.vector_load %arg5[%get3A_1127] {strides = array<i32>} : memref<1024xi32, #tpu.memory_space<vmem>>, vector<16xi32>,
    %get3A_1129 = vector.shape_cast %get3A_1128 : vector<16xi32> to vector<16xi32>
    %get3A_1130 = arith.constant 48 : index
    %get3A_1131 = tpu.vector_load %arg6[%get3A_1130] {strides = array<i32>} : memref<1024xf32, #tpu.memory_space<vmem>>, vector<16xf32>,
    %get3A_1132 = vector.shape_cast %get3A_1131 : vector<16xf32> to vector<16xf32>
    %eq3A_1133 = vector.broadcast %add3A_818 : i32 to vector<16xi32>
    %eq3A_1134 = arith.cmpi eq, %get3A_1129, %eq3A_1133 : vector<16xi32>
    %jit3A_1135 = arith.constant 0.000000e+00 : f32
    %broadcast_in_dim3A_1136 = vector.broadcast %jit3A_1135 : f32 to vector<16xf32>
    %select_n3A_1137 = arith.select %eq3A_1134, %get3A_1132, %broadcast_in_dim3A_1136 : vector<16xi1>, vector<16xf32>
    %add3A_1138 = arith.addf %broadcast_in_dim3A_1126, %select_n3A_1137 : vector<16xf32>
    %get3A_1139 = arith.constant 176 : index
    %get3A_1140 = tpu.vector_load %arg5[%get3A_1139] {strides = array<i32>} : memref<1024xi32, #tpu.memory_space<vmem>>, vector<16xi32>,
    %get3A_1141 = vector.shape_cast %get3A_1140 : vector<16xi32> to vector<16xi32>
    %get3A_1142 = arith.constant 176 : index
    %get3A_1143 = tpu.vector_load %arg6[%get3A_1142] {strides = array<i32>} : memref<1024xf32, #tpu.memory_space<vmem>>, vector<16xf32>,
    %get3A_1144 = vector.shape_cast %get3A_1143 : vector<16xf32> to vector<16xf32>
    %eq3A_1145 = vector.broadcast %add3A_818 : i32 to vector<16xi32>
    %eq3A_1146 = arith.cmpi eq, %get3A_1141, %eq3A_1145 : vector<16xi32>
    %jit3A_1147 = arith.constant 0.000000e+00 : f32
    %broadcast_in_dim3A_1148 = vector.broadcast %jit3A_1147 : f32 to vector<16xf32>
    %select_n3A_1149 = arith.select %eq3A_1146, %get3A_1144, %broadcast_in_dim3A_1148 : vector<16xi1>, vector<16xf32>
    %add3A_1150 = arith.addf %add3A_1138, %select_n3A_1149 : vector<16xf32>
    %get3A_1151 = arith.constant 304 : index
    %get3A_1152 = tpu.vector_load %arg5[%get3A_1151] {strides = array<i32>} : memref<1024xi32, #tpu.memory_space<vmem>>, vector<16xi32>,
    %get3A_1153 = vector.shape_cast %get3A_1152 : vector<16xi32> to vector<16xi32>
    %get3A_1154 = arith.constant 304 : index
    %get3A_1155 = tpu.vector_load %arg6[%get3A_1154] {strides = array<i32>} : memref<1024xf32, #tpu.memory_space<vmem>>, vector<16xf32>,
    %get3A_1156 = vector.shape_cast %get3A_1155 : vector<16xf32> to vector<16xf32>
    %eq3A_1157 = vector.broadcast %add3A_818 : i32 to vector<16xi32>
    %eq3A_1158 = arith.cmpi eq, %get3A_1153, %eq3A_1157 : vector<16xi32>
    %jit3A_1159 = arith.constant 0.000000e+00 : f32
    %broadcast_in_dim3A_1160 = vector.broadcast %jit3A_1159 : f32 to vector<16xf32>
    %select_n3A_1161 = arith.select %eq3A_1158, %get3A_1156, %broadcast_in_dim3A_1160 : vector<16xi1>, vector<16xf32>
    %add3A_1162 = arith.addf %add3A_1150, %select_n3A_1161 : vector<16xf32>
    %get3A_1163 = arith.constant 432 : index
    %get3A_1164 = tpu.vector_load %arg5[%get3A_1163] {strides = array<i32>} : memref<1024xi32, #tpu.memory_space<vmem>>, vector<16xi32>,
    %get3A_1165 = vector.shape_cast %get3A_1164 : vector<16xi32> to vector<16xi32>
    %get3A_1166 = arith.constant 432 : index
    %get3A_1167 = tpu.vector_load %arg6[%get3A_1166] {strides = array<i32>} : memref<1024xf32, #tpu.memory_space<vmem>>, vector<16xf32>,
    %get3A_1168 = vector.shape_cast %get3A_1167 : vector<16xf32> to vector<16xf32>
    %eq3A_1169 = vector.broadcast %add3A_818 : i32 to vector<16xi32>
    %eq3A_1170 = arith.cmpi eq, %get3A_1165, %eq3A_1169 : vector<16xi32>
    %jit3A_1171 = arith.constant 0.000000e+00 : f32
    %broadcast_in_dim3A_1172 = vector.broadcast %jit3A_1171 : f32 to vector<16xf32>
    %select_n3A_1173 = arith.select %eq3A_1170, %get3A_1168, %broadcast_in_dim3A_1172 : vector<16xi1>, vector<16xf32>
    %add3A_1174 = arith.addf %add3A_1162, %select_n3A_1173 : vector<16xf32>
    %get3A_1175 = arith.constant 560 : index
    %get3A_1176 = tpu.vector_load %arg5[%get3A_1175] {strides = array<i32>} : memref<1024xi32, #tpu.memory_space<vmem>>, vector<16xi32>,
    %get3A_1177 = vector.shape_cast %get3A_1176 : vector<16xi32> to vector<16xi32>
    %get3A_1178 = arith.constant 560 : index
    %get3A_1179 = tpu.vector_load %arg6[%get3A_1178] {strides = array<i32>} : memref<1024xf32, #tpu.memory_space<vmem>>, vector<16xf32>,
    %get3A_1180 = vector.shape_cast %get3A_1179 : vector<16xf32> to vector<16xf32>
    %eq3A_1181 = vector.broadcast %add3A_818 : i32 to vector<16xi32>
    %eq3A_1182 = arith.cmpi eq, %get3A_1177, %eq3A_1181 : vector<16xi32>
    %jit3A_1183 = arith.constant 0.000000e+00 : f32
    %broadcast_in_dim3A_1184 = vector.broadcast %jit3A_1183 : f32 to vector<16xf32>
    %select_n3A_1185 = arith.select %eq3A_1182, %get3A_1180, %broadcast_in_dim3A_1184 : vector<16xi1>, vector<16xf32>
    %add3A_1186 = arith.addf %add3A_1174, %select_n3A_1185 : vector<16xf32>
    %get3A_1187 = arith.constant 688 : index
    %get3A_1188 = tpu.vector_load %arg5[%get3A_1187] {strides = array<i32>} : memref<1024xi32, #tpu.memory_space<vmem>>, vector<16xi32>,
    %get3A_1189 = vector.shape_cast %get3A_1188 : vector<16xi32> to vector<16xi32>
    %get3A_1190 = arith.constant 688 : index
    %get3A_1191 = tpu.vector_load %arg6[%get3A_1190] {strides = array<i32>} : memref<1024xf32, #tpu.memory_space<vmem>>, vector<16xf32>,
    %get3A_1192 = vector.shape_cast %get3A_1191 : vector<16xf32> to vector<16xf32>
    %eq3A_1193 = vector.broadcast %add3A_818 : i32 to vector<16xi32>
    %eq3A_1194 = arith.cmpi eq, %get3A_1189, %eq3A_1193 : vector<16xi32>
    %jit3A_1195 = arith.constant 0.000000e+00 : f32
    %broadcast_in_dim3A_1196 = vector.broadcast %jit3A_1195 : f32 to vector<16xf32>
    %select_n3A_1197 = arith.select %eq3A_1194, %get3A_1192, %broadcast_in_dim3A_1196 : vector<16xi1>, vector<16xf32>
    %add3A_1198 = arith.addf %add3A_1186, %select_n3A_1197 : vector<16xf32>
    %get3A_1199 = arith.constant 816 : index
    %get3A_1200 = tpu.vector_load %arg5[%get3A_1199] {strides = array<i32>} : memref<1024xi32, #tpu.memory_space<vmem>>, vector<16xi32>,
    %get3A_1201 = vector.shape_cast %get3A_1200 : vector<16xi32> to vector<16xi32>
    %get3A_1202 = arith.constant 816 : index
    %get3A_1203 = tpu.vector_load %arg6[%get3A_1202] {strides = array<i32>} : memref<1024xf32, #tpu.memory_space<vmem>>, vector<16xf32>,
    %get3A_1204 = vector.shape_cast %get3A_1203 : vector<16xf32> to vector<16xf32>
    %eq3A_1205 = vector.broadcast %add3A_818 : i32 to vector<16xi32>
    %eq3A_1206 = arith.cmpi eq, %get3A_1201, %eq3A_1205 : vector<16xi32>
    %jit3A_1207 = arith.constant 0.000000e+00 : f32
    %broadcast_in_dim3A_1208 = vector.broadcast %jit3A_1207 : f32 to vector<16xf32>
    %select_n3A_1209 = arith.select %eq3A_1206, %get3A_1204, %broadcast_in_dim3A_1208 : vector<16xi1>, vector<16xf32>
    %add3A_1210 = arith.addf %add3A_1198, %select_n3A_1209 : vector<16xf32>
    %get3A_1211 = arith.constant 944 : index
    %get3A_1212 = tpu.vector_load %arg5[%get3A_1211] {strides = array<i32>} : memref<1024xi32, #tpu.memory_space<vmem>>, vector<16xi32>,
    %get3A_1213 = vector.shape_cast %get3A_1212 : vector<16xi32> to vector<16xi32>
    %get3A_1214 = arith.constant 944 : index
    %get3A_1215 = tpu.vector_load %arg6[%get3A_1214] {strides = array<i32>} : memref<1024xf32, #tpu.memory_space<vmem>>, vector<16xf32>,
    %get3A_1216 = vector.shape_cast %get3A_1215 : vector<16xf32> to vector<16xf32>
    %eq3A_1217 = vector.broadcast %add3A_818 : i32 to vector<16xi32>
    %eq3A_1218 = arith.cmpi eq, %get3A_1213, %eq3A_1217 : vector<16xi32>
    %jit3A_1219 = arith.constant 0.000000e+00 : f32
    %broadcast_in_dim3A_1220 = vector.broadcast %jit3A_1219 : f32 to vector<16xf32>
    %select_n3A_1221 = arith.select %eq3A_1218, %get3A_1216, %broadcast_in_dim3A_1220 : vector<16xi1>, vector<16xf32>
    %add3A_1222 = arith.addf %add3A_1210, %select_n3A_1221 : vector<16xf32>
    %swap3A_1223 = arith.constant 48 : index
    %swap3A_1224 = tpu.vector_load %arg7[%swap3A_1223] {strides = array<i32>} : memref<128xf32, #tpu.memory_space<vmem>>, vector<16xf32>,
    %swap3A_1225 = vector.shape_cast %swap3A_1224 : vector<16xf32> to vector<16xf32>
    %swap3A_1226 = vector.shape_cast %add3A_1222 : vector<16xf32> to vector<16xf32>
    tpu.vector_store %arg7[%swap3A_1223], %swap3A_1226 {strides = array<i32>} : memref<128xf32, #tpu.memory_space<vmem>>, vector<16xf32>,
    %broadcast_in_dim3A_1227 = arith.constant 0.000000e+00 : f32
    %broadcast_in_dim3A_1228 = vector.broadcast %broadcast_in_dim3A_1227 : f32 to vector<16xf32>
    %get3A_1229 = arith.constant 64 : index
    %get3A_1230 = tpu.vector_load %arg5[%get3A_1229] {strides = array<i32>} : memref<1024xi32, #tpu.memory_space<vmem>>, vector<16xi32>,
    %get3A_1231 = vector.shape_cast %get3A_1230 : vector<16xi32> to vector<16xi32>
    %get3A_1232 = arith.constant 64 : index
    %get3A_1233 = tpu.vector_load %arg6[%get3A_1232] {strides = array<i32>} : memref<1024xf32, #tpu.memory_space<vmem>>, vector<16xf32>,
    %get3A_1234 = vector.shape_cast %get3A_1233 : vector<16xf32> to vector<16xf32>
    %eq3A_1235 = vector.broadcast %add3A_818 : i32 to vector<16xi32>
    %eq3A_1236 = arith.cmpi eq, %get3A_1231, %eq3A_1235 : vector<16xi32>
    %jit3A_1237 = arith.constant 0.000000e+00 : f32
    %broadcast_in_dim3A_1238 = vector.broadcast %jit3A_1237 : f32 to vector<16xf32>
    %select_n3A_1239 = arith.select %eq3A_1236, %get3A_1234, %broadcast_in_dim3A_1238 : vector<16xi1>, vector<16xf32>
    %add3A_1240 = arith.addf %broadcast_in_dim3A_1228, %select_n3A_1239 : vector<16xf32>
    %get3A_1241 = arith.constant 192 : index
    %get3A_1242 = tpu.vector_load %arg5[%get3A_1241] {strides = array<i32>} : memref<1024xi32, #tpu.memory_space<vmem>>, vector<16xi32>,
    %get3A_1243 = vector.shape_cast %get3A_1242 : vector<16xi32> to vector<16xi32>
    %get3A_1244 = arith.constant 192 : index
    %get3A_1245 = tpu.vector_load %arg6[%get3A_1244] {strides = array<i32>} : memref<1024xf32, #tpu.memory_space<vmem>>, vector<16xf32>,
    %get3A_1246 = vector.shape_cast %get3A_1245 : vector<16xf32> to vector<16xf32>
    %eq3A_1247 = vector.broadcast %add3A_818 : i32 to vector<16xi32>
    %eq3A_1248 = arith.cmpi eq, %get3A_1243, %eq3A_1247 : vector<16xi32>
    %jit3A_1249 = arith.constant 0.000000e+00 : f32
    %broadcast_in_dim3A_1250 = vector.broadcast %jit3A_1249 : f32 to vector<16xf32>
    %select_n3A_1251 = arith.select %eq3A_1248, %get3A_1246, %broadcast_in_dim3A_1250 : vector<16xi1>, vector<16xf32>
    %add3A_1252 = arith.addf %add3A_1240, %select_n3A_1251 : vector<16xf32>
    %get3A_1253 = arith.constant 320 : index
    %get3A_1254 = tpu.vector_load %arg5[%get3A_1253] {strides = array<i32>} : memref<1024xi32, #tpu.memory_space<vmem>>, vector<16xi32>,
    %get3A_1255 = vector.shape_cast %get3A_1254 : vector<16xi32> to vector<16xi32>
    %get3A_1256 = arith.constant 320 : index
    %get3A_1257 = tpu.vector_load %arg6[%get3A_1256] {strides = array<i32>} : memref<1024xf32, #tpu.memory_space<vmem>>, vector<16xf32>,
    %get3A_1258 = vector.shape_cast %get3A_1257 : vector<16xf32> to vector<16xf32>
    %eq3A_1259 = vector.broadcast %add3A_818 : i32 to vector<16xi32>
    %eq3A_1260 = arith.cmpi eq, %get3A_1255, %eq3A_1259 : vector<16xi32>
    %jit3A_1261 = arith.constant 0.000000e+00 : f32
    %broadcast_in_dim3A_1262 = vector.broadcast %jit3A_1261 : f32 to vector<16xf32>
    %select_n3A_1263 = arith.select %eq3A_1260, %get3A_1258, %broadcast_in_dim3A_1262 : vector<16xi1>, vector<16xf32>
    %add3A_1264 = arith.addf %add3A_1252, %select_n3A_1263 : vector<16xf32>
    %get3A_1265 = arith.constant 448 : index
    %get3A_1266 = tpu.vector_load %arg5[%get3A_1265] {strides = array<i32>} : memref<1024xi32, #tpu.memory_space<vmem>>, vector<16xi32>,
    %get3A_1267 = vector.shape_cast %get3A_1266 : vector<16xi32> to vector<16xi32>
    %get3A_1268 = arith.constant 448 : index
    %get3A_1269 = tpu.vector_load %arg6[%get3A_1268] {strides = array<i32>} : memref<1024xf32, #tpu.memory_space<vmem>>, vector<16xf32>,
    %get3A_1270 = vector.shape_cast %get3A_1269 : vector<16xf32> to vector<16xf32>
    %eq3A_1271 = vector.broadcast %add3A_818 : i32 to vector<16xi32>
    %eq3A_1272 = arith.cmpi eq, %get3A_1267, %eq3A_1271 : vector<16xi32>
    %jit3A_1273 = arith.constant 0.000000e+00 : f32
    %broadcast_in_dim3A_1274 = vector.broadcast %jit3A_1273 : f32 to vector<16xf32>
    %select_n3A_1275 = arith.select %eq3A_1272, %get3A_1270, %broadcast_in_dim3A_1274 : vector<16xi1>, vector<16xf32>
    %add3A_1276 = arith.addf %add3A_1264, %select_n3A_1275 : vector<16xf32>
    %get3A_1277 = arith.constant 576 : index
    %get3A_1278 = tpu.vector_load %arg5[%get3A_1277] {strides = array<i32>} : memref<1024xi32, #tpu.memory_space<vmem>>, vector<16xi32>,
    %get3A_1279 = vector.shape_cast %get3A_1278 : vector<16xi32> to vector<16xi32>
    %get3A_1280 = arith.constant 576 : index
    %get3A_1281 = tpu.vector_load %arg6[%get3A_1280] {strides = array<i32>} : memref<1024xf32, #tpu.memory_space<vmem>>, vector<16xf32>,
    %get3A_1282 = vector.shape_cast %get3A_1281 : vector<16xf32> to vector<16xf32>
    %eq3A_1283 = vector.broadcast %add3A_818 : i32 to vector<16xi32>
    %eq3A_1284 = arith.cmpi eq, %get3A_1279, %eq3A_1283 : vector<16xi32>
    %jit3A_1285 = arith.constant 0.000000e+00 : f32
    %broadcast_in_dim3A_1286 = vector.broadcast %jit3A_1285 : f32 to vector<16xf32>
    %select_n3A_1287 = arith.select %eq3A_1284, %get3A_1282, %broadcast_in_dim3A_1286 : vector<16xi1>, vector<16xf32>
    %add3A_1288 = arith.addf %add3A_1276, %select_n3A_1287 : vector<16xf32>
    %get3A_1289 = arith.constant 704 : index
    %get3A_1290 = tpu.vector_load %arg5[%get3A_1289] {strides = array<i32>} : memref<1024xi32, #tpu.memory_space<vmem>>, vector<16xi32>,
    %get3A_1291 = vector.shape_cast %get3A_1290 : vector<16xi32> to vector<16xi32>
    %get3A_1292 = arith.constant 704 : index
    %get3A_1293 = tpu.vector_load %arg6[%get3A_1292] {strides = array<i32>} : memref<1024xf32, #tpu.memory_space<vmem>>, vector<16xf32>,
    %get3A_1294 = vector.shape_cast %get3A_1293 : vector<16xf32> to vector<16xf32>
    %eq3A_1295 = vector.broadcast %add3A_818 : i32 to vector<16xi32>
    %eq3A_1296 = arith.cmpi eq, %get3A_1291, %eq3A_1295 : vector<16xi32>
    %jit3A_1297 = arith.constant 0.000000e+00 : f32
    %broadcast_in_dim3A_1298 = vector.broadcast %jit3A_1297 : f32 to vector<16xf32>
    %select_n3A_1299 = arith.select %eq3A_1296, %get3A_1294, %broadcast_in_dim3A_1298 : vector<16xi1>, vector<16xf32>
    %add3A_1300 = arith.addf %add3A_1288, %select_n3A_1299 : vector<16xf32>
    %get3A_1301 = arith.constant 832 : index
    %get3A_1302 = tpu.vector_load %arg5[%get3A_1301] {strides = array<i32>} : memref<1024xi32, #tpu.memory_space<vmem>>, vector<16xi32>,
    %get3A_1303 = vector.shape_cast %get3A_1302 : vector<16xi32> to vector<16xi32>
    %get3A_1304 = arith.constant 832 : index
    %get3A_1305 = tpu.vector_load %arg6[%get3A_1304] {strides = array<i32>} : memref<1024xf32, #tpu.memory_space<vmem>>, vector<16xf32>,
    %get3A_1306 = vector.shape_cast %get3A_1305 : vector<16xf32> to vector<16xf32>
    %eq3A_1307 = vector.broadcast %add3A_818 : i32 to vector<16xi32>
    %eq3A_1308 = arith.cmpi eq, %get3A_1303, %eq3A_1307 : vector<16xi32>
    %jit3A_1309 = arith.constant 0.000000e+00 : f32
    %broadcast_in_dim3A_1310 = vector.broadcast %jit3A_1309 : f32 to vector<16xf32>
    %select_n3A_1311 = arith.select %eq3A_1308, %get3A_1306, %broadcast_in_dim3A_1310 : vector<16xi1>, vector<16xf32>
    %add3A_1312 = arith.addf %add3A_1300, %select_n3A_1311 : vector<16xf32>
    %get3A_1313 = arith.constant 960 : index
    %get3A_1314 = tpu.vector_load %arg5[%get3A_1313] {strides = array<i32>} : memref<1024xi32, #tpu.memory_space<vmem>>, vector<16xi32>,
    %get3A_1315 = vector.shape_cast %get3A_1314 : vector<16xi32> to vector<16xi32>
    %get3A_1316 = arith.constant 960 : index
    %get3A_1317 = tpu.vector_load %arg6[%get3A_1316] {strides = array<i32>} : memref<1024xf32, #tpu.memory_space<vmem>>, vector<16xf32>,
    %get3A_1318 = vector.shape_cast %get3A_1317 : vector<16xf32> to vector<16xf32>
    %eq3A_1319 = vector.broadcast %add3A_818 : i32 to vector<16xi32>
    %eq3A_1320 = arith.cmpi eq, %get3A_1315, %eq3A_1319 : vector<16xi32>
    %jit3A_1321 = arith.constant 0.000000e+00 : f32
    %broadcast_in_dim3A_1322 = vector.broadcast %jit3A_1321 : f32 to vector<16xf32>
    %select_n3A_1323 = arith.select %eq3A_1320, %get3A_1318, %broadcast_in_dim3A_1322 : vector<16xi1>, vector<16xf32>
    %add3A_1324 = arith.addf %add3A_1312, %select_n3A_1323 : vector<16xf32>
    %swap3A_1325 = arith.constant 64 : index
    %swap3A_1326 = tpu.vector_load %arg7[%swap3A_1325] {strides = array<i32>} : memref<128xf32, #tpu.memory_space<vmem>>, vector<16xf32>,
    %swap3A_1327 = vector.shape_cast %swap3A_1326 : vector<16xf32> to vector<16xf32>
    %swap3A_1328 = vector.shape_cast %add3A_1324 : vector<16xf32> to vector<16xf32>
    tpu.vector_store %arg7[%swap3A_1325], %swap3A_1328 {strides = array<i32>} : memref<128xf32, #tpu.memory_space<vmem>>, vector<16xf32>,
    %broadcast_in_dim3A_1329 = arith.constant 0.000000e+00 : f32
    %broadcast_in_dim3A_1330 = vector.broadcast %broadcast_in_dim3A_1329 : f32 to vector<16xf32>
    %get3A_1331 = arith.constant 80 : index
    %get3A_1332 = tpu.vector_load %arg5[%get3A_1331] {strides = array<i32>} : memref<1024xi32, #tpu.memory_space<vmem>>, vector<16xi32>,
    %get3A_1333 = vector.shape_cast %get3A_1332 : vector<16xi32> to vector<16xi32>
    %get3A_1334 = arith.constant 80 : index
    %get3A_1335 = tpu.vector_load %arg6[%get3A_1334] {strides = array<i32>} : memref<1024xf32, #tpu.memory_space<vmem>>, vector<16xf32>,
    %get3A_1336 = vector.shape_cast %get3A_1335 : vector<16xf32> to vector<16xf32>
    %eq3A_1337 = vector.broadcast %add3A_818 : i32 to vector<16xi32>
    %eq3A_1338 = arith.cmpi eq, %get3A_1333, %eq3A_1337 : vector<16xi32>
    %jit3A_1339 = arith.constant 0.000000e+00 : f32
    %broadcast_in_dim3A_1340 = vector.broadcast %jit3A_1339 : f32 to vector<16xf32>
    %select_n3A_1341 = arith.select %eq3A_1338, %get3A_1336, %broadcast_in_dim3A_1340 : vector<16xi1>, vector<16xf32>
    %add3A_1342 = arith.addf %broadcast_in_dim3A_1330, %select_n3A_1341 : vector<16xf32>
    %get3A_1343 = arith.constant 208 : index
    %get3A_1344 = tpu.vector_load %arg5[%get3A_1343] {strides = array<i32>} : memref<1024xi32, #tpu.memory_space<vmem>>, vector<16xi32>,
    %get3A_1345 = vector.shape_cast %get3A_1344 : vector<16xi32> to vector<16xi32>
    %get3A_1346 = arith.constant 208 : index
    %get3A_1347 = tpu.vector_load %arg6[%get3A_1346] {strides = array<i32>} : memref<1024xf32, #tpu.memory_space<vmem>>, vector<16xf32>,
    %get3A_1348 = vector.shape_cast %get3A_1347 : vector<16xf32> to vector<16xf32>
    %eq3A_1349 = vector.broadcast %add3A_818 : i32 to vector<16xi32>
    %eq3A_1350 = arith.cmpi eq, %get3A_1345, %eq3A_1349 : vector<16xi32>
    %jit3A_1351 = arith.constant 0.000000e+00 : f32
    %broadcast_in_dim3A_1352 = vector.broadcast %jit3A_1351 : f32 to vector<16xf32>
    %select_n3A_1353 = arith.select %eq3A_1350, %get3A_1348, %broadcast_in_dim3A_1352 : vector<16xi1>, vector<16xf32>
    %add3A_1354 = arith.addf %add3A_1342, %select_n3A_1353 : vector<16xf32>
    %get3A_1355 = arith.constant 336 : index
    %get3A_1356 = tpu.vector_load %arg5[%get3A_1355] {strides = array<i32>} : memref<1024xi32, #tpu.memory_space<vmem>>, vector<16xi32>,
    %get3A_1357 = vector.shape_cast %get3A_1356 : vector<16xi32> to vector<16xi32>
    %get3A_1358 = arith.constant 336 : index
    %get3A_1359 = tpu.vector_load %arg6[%get3A_1358] {strides = array<i32>} : memref<1024xf32, #tpu.memory_space<vmem>>, vector<16xf32>,
    %get3A_1360 = vector.shape_cast %get3A_1359 : vector<16xf32> to vector<16xf32>
    %eq3A_1361 = vector.broadcast %add3A_818 : i32 to vector<16xi32>
    %eq3A_1362 = arith.cmpi eq, %get3A_1357, %eq3A_1361 : vector<16xi32>
    %jit3A_1363 = arith.constant 0.000000e+00 : f32
    %broadcast_in_dim3A_1364 = vector.broadcast %jit3A_1363 : f32 to vector<16xf32>
    %select_n3A_1365 = arith.select %eq3A_1362, %get3A_1360, %broadcast_in_dim3A_1364 : vector<16xi1>, vector<16xf32>
    %add3A_1366 = arith.addf %add3A_1354, %select_n3A_1365 : vector<16xf32>
    %get3A_1367 = arith.constant 464 : index
    %get3A_1368 = tpu.vector_load %arg5[%get3A_1367] {strides = array<i32>} : memref<1024xi32, #tpu.memory_space<vmem>>, vector<16xi32>,
    %get3A_1369 = vector.shape_cast %get3A_1368 : vector<16xi32> to vector<16xi32>
    %get3A_1370 = arith.constant 464 : index
    %get3A_1371 = tpu.vector_load %arg6[%get3A_1370] {strides = array<i32>} : memref<1024xf32, #tpu.memory_space<vmem>>, vector<16xf32>,
    %get3A_1372 = vector.shape_cast %get3A_1371 : vector<16xf32> to vector<16xf32>
    %eq3A_1373 = vector.broadcast %add3A_818 : i32 to vector<16xi32>
    %eq3A_1374 = arith.cmpi eq, %get3A_1369, %eq3A_1373 : vector<16xi32>
    %jit3A_1375 = arith.constant 0.000000e+00 : f32
    %broadcast_in_dim3A_1376 = vector.broadcast %jit3A_1375 : f32 to vector<16xf32>
    %select_n3A_1377 = arith.select %eq3A_1374, %get3A_1372, %broadcast_in_dim3A_1376 : vector<16xi1>, vector<16xf32>
    %add3A_1378 = arith.addf %add3A_1366, %select_n3A_1377 : vector<16xf32>
    %get3A_1379 = arith.constant 592 : index
    %get3A_1380 = tpu.vector_load %arg5[%get3A_1379] {strides = array<i32>} : memref<1024xi32, #tpu.memory_space<vmem>>, vector<16xi32>,
    %get3A_1381 = vector.shape_cast %get3A_1380 : vector<16xi32> to vector<16xi32>
    %get3A_1382 = arith.constant 592 : index
    %get3A_1383 = tpu.vector_load %arg6[%get3A_1382] {strides = array<i32>} : memref<1024xf32, #tpu.memory_space<vmem>>, vector<16xf32>,
    %get3A_1384 = vector.shape_cast %get3A_1383 : vector<16xf32> to vector<16xf32>
    %eq3A_1385 = vector.broadcast %add3A_818 : i32 to vector<16xi32>
    %eq3A_1386 = arith.cmpi eq, %get3A_1381, %eq3A_1385 : vector<16xi32>
    %jit3A_1387 = arith.constant 0.000000e+00 : f32
    %broadcast_in_dim3A_1388 = vector.broadcast %jit3A_1387 : f32 to vector<16xf32>
    %select_n3A_1389 = arith.select %eq3A_1386, %get3A_1384, %broadcast_in_dim3A_1388 : vector<16xi1>, vector<16xf32>
    %add3A_1390 = arith.addf %add3A_1378, %select_n3A_1389 : vector<16xf32>
    %get3A_1391 = arith.constant 720 : index
    %get3A_1392 = tpu.vector_load %arg5[%get3A_1391] {strides = array<i32>} : memref<1024xi32, #tpu.memory_space<vmem>>, vector<16xi32>,
    %get3A_1393 = vector.shape_cast %get3A_1392 : vector<16xi32> to vector<16xi32>
    %get3A_1394 = arith.constant 720 : index
    %get3A_1395 = tpu.vector_load %arg6[%get3A_1394] {strides = array<i32>} : memref<1024xf32, #tpu.memory_space<vmem>>, vector<16xf32>,
    %get3A_1396 = vector.shape_cast %get3A_1395 : vector<16xf32> to vector<16xf32>
    %eq3A_1397 = vector.broadcast %add3A_818 : i32 to vector<16xi32>
    %eq3A_1398 = arith.cmpi eq, %get3A_1393, %eq3A_1397 : vector<16xi32>
    %jit3A_1399 = arith.constant 0.000000e+00 : f32
    %broadcast_in_dim3A_1400 = vector.broadcast %jit3A_1399 : f32 to vector<16xf32>
    %select_n3A_1401 = arith.select %eq3A_1398, %get3A_1396, %broadcast_in_dim3A_1400 : vector<16xi1>, vector<16xf32>
    %add3A_1402 = arith.addf %add3A_1390, %select_n3A_1401 : vector<16xf32>
    %get3A_1403 = arith.constant 848 : index
    %get3A_1404 = tpu.vector_load %arg5[%get3A_1403] {strides = array<i32>} : memref<1024xi32, #tpu.memory_space<vmem>>, vector<16xi32>,
    %get3A_1405 = vector.shape_cast %get3A_1404 : vector<16xi32> to vector<16xi32>
    %get3A_1406 = arith.constant 848 : index
    %get3A_1407 = tpu.vector_load %arg6[%get3A_1406] {strides = array<i32>} : memref<1024xf32, #tpu.memory_space<vmem>>, vector<16xf32>,
    %get3A_1408 = vector.shape_cast %get3A_1407 : vector<16xf32> to vector<16xf32>
    %eq3A_1409 = vector.broadcast %add3A_818 : i32 to vector<16xi32>
    %eq3A_1410 = arith.cmpi eq, %get3A_1405, %eq3A_1409 : vector<16xi32>
    %jit3A_1411 = arith.constant 0.000000e+00 : f32
    %broadcast_in_dim3A_1412 = vector.broadcast %jit3A_1411 : f32 to vector<16xf32>
    %select_n3A_1413 = arith.select %eq3A_1410, %get3A_1408, %broadcast_in_dim3A_1412 : vector<16xi1>, vector<16xf32>
    %add3A_1414 = arith.addf %add3A_1402, %select_n3A_1413 : vector<16xf32>
    %get3A_1415 = arith.constant 976 : index
    %get3A_1416 = tpu.vector_load %arg5[%get3A_1415] {strides = array<i32>} : memref<1024xi32, #tpu.memory_space<vmem>>, vector<16xi32>,
    %get3A_1417 = vector.shape_cast %get3A_1416 : vector<16xi32> to vector<16xi32>
    %get3A_1418 = arith.constant 976 : index
    %get3A_1419 = tpu.vector_load %arg6[%get3A_1418] {strides = array<i32>} : memref<1024xf32, #tpu.memory_space<vmem>>, vector<16xf32>,
    %get3A_1420 = vector.shape_cast %get3A_1419 : vector<16xf32> to vector<16xf32>
    %eq3A_1421 = vector.broadcast %add3A_818 : i32 to vector<16xi32>
    %eq3A_1422 = arith.cmpi eq, %get3A_1417, %eq3A_1421 : vector<16xi32>
    %jit3A_1423 = arith.constant 0.000000e+00 : f32
    %broadcast_in_dim3A_1424 = vector.broadcast %jit3A_1423 : f32 to vector<16xf32>
    %select_n3A_1425 = arith.select %eq3A_1422, %get3A_1420, %broadcast_in_dim3A_1424 : vector<16xi1>, vector<16xf32>
    %add3A_1426 = arith.addf %add3A_1414, %select_n3A_1425 : vector<16xf32>
    %swap3A_1427 = arith.constant 80 : index
    %swap3A_1428 = tpu.vector_load %arg7[%swap3A_1427] {strides = array<i32>} : memref<128xf32, #tpu.memory_space<vmem>>, vector<16xf32>,
    %swap3A_1429 = vector.shape_cast %swap3A_1428 : vector<16xf32> to vector<16xf32>
    %swap3A_1430 = vector.shape_cast %add3A_1426 : vector<16xf32> to vector<16xf32>
    tpu.vector_store %arg7[%swap3A_1427], %swap3A_1430 {strides = array<i32>} : memref<128xf32, #tpu.memory_space<vmem>>, vector<16xf32>,
    %broadcast_in_dim3A_1431 = arith.constant 0.000000e+00 : f32
    %broadcast_in_dim3A_1432 = vector.broadcast %broadcast_in_dim3A_1431 : f32 to vector<16xf32>
    %get3A_1433 = arith.constant 96 : index
    %get3A_1434 = tpu.vector_load %arg5[%get3A_1433] {strides = array<i32>} : memref<1024xi32, #tpu.memory_space<vmem>>, vector<16xi32>,
    %get3A_1435 = vector.shape_cast %get3A_1434 : vector<16xi32> to vector<16xi32>
    %get3A_1436 = arith.constant 96 : index
    %get3A_1437 = tpu.vector_load %arg6[%get3A_1436] {strides = array<i32>} : memref<1024xf32, #tpu.memory_space<vmem>>, vector<16xf32>,
    %get3A_1438 = vector.shape_cast %get3A_1437 : vector<16xf32> to vector<16xf32>
    %eq3A_1439 = vector.broadcast %add3A_818 : i32 to vector<16xi32>
    %eq3A_1440 = arith.cmpi eq, %get3A_1435, %eq3A_1439 : vector<16xi32>
    %jit3A_1441 = arith.constant 0.000000e+00 : f32
    %broadcast_in_dim3A_1442 = vector.broadcast %jit3A_1441 : f32 to vector<16xf32>
    %select_n3A_1443 = arith.select %eq3A_1440, %get3A_1438, %broadcast_in_dim3A_1442 : vector<16xi1>, vector<16xf32>
    %add3A_1444 = arith.addf %broadcast_in_dim3A_1432, %select_n3A_1443 : vector<16xf32>
    %get3A_1445 = arith.constant 224 : index
    %get3A_1446 = tpu.vector_load %arg5[%get3A_1445] {strides = array<i32>} : memref<1024xi32, #tpu.memory_space<vmem>>, vector<16xi32>,
    %get3A_1447 = vector.shape_cast %get3A_1446 : vector<16xi32> to vector<16xi32>
    %get3A_1448 = arith.constant 224 : index
    %get3A_1449 = tpu.vector_load %arg6[%get3A_1448] {strides = array<i32>} : memref<1024xf32, #tpu.memory_space<vmem>>, vector<16xf32>,
    %get3A_1450 = vector.shape_cast %get3A_1449 : vector<16xf32> to vector<16xf32>
    %eq3A_1451 = vector.broadcast %add3A_818 : i32 to vector<16xi32>
    %eq3A_1452 = arith.cmpi eq, %get3A_1447, %eq3A_1451 : vector<16xi32>
    %jit3A_1453 = arith.constant 0.000000e+00 : f32
    %broadcast_in_dim3A_1454 = vector.broadcast %jit3A_1453 : f32 to vector<16xf32>
    %select_n3A_1455 = arith.select %eq3A_1452, %get3A_1450, %broadcast_in_dim3A_1454 : vector<16xi1>, vector<16xf32>
    %add3A_1456 = arith.addf %add3A_1444, %select_n3A_1455 : vector<16xf32>
    %get3A_1457 = arith.constant 352 : index
    %get3A_1458 = tpu.vector_load %arg5[%get3A_1457] {strides = array<i32>} : memref<1024xi32, #tpu.memory_space<vmem>>, vector<16xi32>,
    %get3A_1459 = vector.shape_cast %get3A_1458 : vector<16xi32> to vector<16xi32>
    %get3A_1460 = arith.constant 352 : index
    %get3A_1461 = tpu.vector_load %arg6[%get3A_1460] {strides = array<i32>} : memref<1024xf32, #tpu.memory_space<vmem>>, vector<16xf32>,
    %get3A_1462 = vector.shape_cast %get3A_1461 : vector<16xf32> to vector<16xf32>
    %eq3A_1463 = vector.broadcast %add3A_818 : i32 to vector<16xi32>
    %eq3A_1464 = arith.cmpi eq, %get3A_1459, %eq3A_1463 : vector<16xi32>
    %jit3A_1465 = arith.constant 0.000000e+00 : f32
    %broadcast_in_dim3A_1466 = vector.broadcast %jit3A_1465 : f32 to vector<16xf32>
    %select_n3A_1467 = arith.select %eq3A_1464, %get3A_1462, %broadcast_in_dim3A_1466 : vector<16xi1>, vector<16xf32>
    %add3A_1468 = arith.addf %add3A_1456, %select_n3A_1467 : vector<16xf32>
    %get3A_1469 = arith.constant 480 : index
    %get3A_1470 = tpu.vector_load %arg5[%get3A_1469] {strides = array<i32>} : memref<1024xi32, #tpu.memory_space<vmem>>, vector<16xi32>,
    %get3A_1471 = vector.shape_cast %get3A_1470 : vector<16xi32> to vector<16xi32>
    %get3A_1472 = arith.constant 480 : index
    %get3A_1473 = tpu.vector_load %arg6[%get3A_1472] {strides = array<i32>} : memref<1024xf32, #tpu.memory_space<vmem>>, vector<16xf32>,
    %get3A_1474 = vector.shape_cast %get3A_1473 : vector<16xf32> to vector<16xf32>
    %eq3A_1475 = vector.broadcast %add3A_818 : i32 to vector<16xi32>
    %eq3A_1476 = arith.cmpi eq, %get3A_1471, %eq3A_1475 : vector<16xi32>
    %jit3A_1477 = arith.constant 0.000000e+00 : f32
    %broadcast_in_dim3A_1478 = vector.broadcast %jit3A_1477 : f32 to vector<16xf32>
    %select_n3A_1479 = arith.select %eq3A_1476, %get3A_1474, %broadcast_in_dim3A_1478 : vector<16xi1>, vector<16xf32>
    %add3A_1480 = arith.addf %add3A_1468, %select_n3A_1479 : vector<16xf32>
    %get3A_1481 = arith.constant 608 : index
    %get3A_1482 = tpu.vector_load %arg5[%get3A_1481] {strides = array<i32>} : memref<1024xi32, #tpu.memory_space<vmem>>, vector<16xi32>,
    %get3A_1483 = vector.shape_cast %get3A_1482 : vector<16xi32> to vector<16xi32>
    %get3A_1484 = arith.constant 608 : index
    %get3A_1485 = tpu.vector_load %arg6[%get3A_1484] {strides = array<i32>} : memref<1024xf32, #tpu.memory_space<vmem>>, vector<16xf32>,
    %get3A_1486 = vector.shape_cast %get3A_1485 : vector<16xf32> to vector<16xf32>
    %eq3A_1487 = vector.broadcast %add3A_818 : i32 to vector<16xi32>
    %eq3A_1488 = arith.cmpi eq, %get3A_1483, %eq3A_1487 : vector<16xi32>
    %jit3A_1489 = arith.constant 0.000000e+00 : f32
    %broadcast_in_dim3A_1490 = vector.broadcast %jit3A_1489 : f32 to vector<16xf32>
    %select_n3A_1491 = arith.select %eq3A_1488, %get3A_1486, %broadcast_in_dim3A_1490 : vector<16xi1>, vector<16xf32>
    %add3A_1492 = arith.addf %add3A_1480, %select_n3A_1491 : vector<16xf32>
    %get3A_1493 = arith.constant 736 : index
    %get3A_1494 = tpu.vector_load %arg5[%get3A_1493] {strides = array<i32>} : memref<1024xi32, #tpu.memory_space<vmem>>, vector<16xi32>,
    %get3A_1495 = vector.shape_cast %get3A_1494 : vector<16xi32> to vector<16xi32>
    %get3A_1496 = arith.constant 736 : index
    %get3A_1497 = tpu.vector_load %arg6[%get3A_1496] {strides = array<i32>} : memref<1024xf32, #tpu.memory_space<vmem>>, vector<16xf32>,
    %get3A_1498 = vector.shape_cast %get3A_1497 : vector<16xf32> to vector<16xf32>
    %eq3A_1499 = vector.broadcast %add3A_818 : i32 to vector<16xi32>
    %eq3A_1500 = arith.cmpi eq, %get3A_1495, %eq3A_1499 : vector<16xi32>
    %jit3A_1501 = arith.constant 0.000000e+00 : f32
    %broadcast_in_dim3A_1502 = vector.broadcast %jit3A_1501 : f32 to vector<16xf32>
    %select_n3A_1503 = arith.select %eq3A_1500, %get3A_1498, %broadcast_in_dim3A_1502 : vector<16xi1>, vector<16xf32>
    %add3A_1504 = arith.addf %add3A_1492, %select_n3A_1503 : vector<16xf32>
    %get3A_1505 = arith.constant 864 : index
    %get3A_1506 = tpu.vector_load %arg5[%get3A_1505] {strides = array<i32>} : memref<1024xi32, #tpu.memory_space<vmem>>, vector<16xi32>,
    %get3A_1507 = vector.shape_cast %get3A_1506 : vector<16xi32> to vector<16xi32>
    %get3A_1508 = arith.constant 864 : index
    %get3A_1509 = tpu.vector_load %arg6[%get3A_1508] {strides = array<i32>} : memref<1024xf32, #tpu.memory_space<vmem>>, vector<16xf32>,
    %get3A_1510 = vector.shape_cast %get3A_1509 : vector<16xf32> to vector<16xf32>
    %eq3A_1511 = vector.broadcast %add3A_818 : i32 to vector<16xi32>
    %eq3A_1512 = arith.cmpi eq, %get3A_1507, %eq3A_1511 : vector<16xi32>
    %jit3A_1513 = arith.constant 0.000000e+00 : f32
    %broadcast_in_dim3A_1514 = vector.broadcast %jit3A_1513 : f32 to vector<16xf32>
    %select_n3A_1515 = arith.select %eq3A_1512, %get3A_1510, %broadcast_in_dim3A_1514 : vector<16xi1>, vector<16xf32>
    %add3A_1516 = arith.addf %add3A_1504, %select_n3A_1515 : vector<16xf32>
    %get3A_1517 = arith.constant 992 : index
    %get3A_1518 = tpu.vector_load %arg5[%get3A_1517] {strides = array<i32>} : memref<1024xi32, #tpu.memory_space<vmem>>, vector<16xi32>,
    %get3A_1519 = vector.shape_cast %get3A_1518 : vector<16xi32> to vector<16xi32>
    %get3A_1520 = arith.constant 992 : index
    %get3A_1521 = tpu.vector_load %arg6[%get3A_1520] {strides = array<i32>} : memref<1024xf32, #tpu.memory_space<vmem>>, vector<16xf32>,
    %get3A_1522 = vector.shape_cast %get3A_1521 : vector<16xf32> to vector<16xf32>
    %eq3A_1523 = vector.broadcast %add3A_818 : i32 to vector<16xi32>
    %eq3A_1524 = arith.cmpi eq, %get3A_1519, %eq3A_1523 : vector<16xi32>
    %jit3A_1525 = arith.constant 0.000000e+00 : f32
    %broadcast_in_dim3A_1526 = vector.broadcast %jit3A_1525 : f32 to vector<16xf32>
    %select_n3A_1527 = arith.select %eq3A_1524, %get3A_1522, %broadcast_in_dim3A_1526 : vector<16xi1>, vector<16xf32>
    %add3A_1528 = arith.addf %add3A_1516, %select_n3A_1527 : vector<16xf32>
    %swap3A_1529 = arith.constant 96 : index
    %swap3A_1530 = tpu.vector_load %arg7[%swap3A_1529] {strides = array<i32>} : memref<128xf32, #tpu.memory_space<vmem>>, vector<16xf32>,
    %swap3A_1531 = vector.shape_cast %swap3A_1530 : vector<16xf32> to vector<16xf32>
    %swap3A_1532 = vector.shape_cast %add3A_1528 : vector<16xf32> to vector<16xf32>
    tpu.vector_store %arg7[%swap3A_1529], %swap3A_1532 {strides = array<i32>} : memref<128xf32, #tpu.memory_space<vmem>>, vector<16xf32>,
    %broadcast_in_dim3A_1533 = arith.constant 0.000000e+00 : f32
    %broadcast_in_dim3A_1534 = vector.broadcast %broadcast_in_dim3A_1533 : f32 to vector<16xf32>
    %get3A_1535 = arith.constant 112 : index
    %get3A_1536 = tpu.vector_load %arg5[%get3A_1535] {strides = array<i32>} : memref<1024xi32, #tpu.memory_space<vmem>>, vector<16xi32>,
    %get3A_1537 = vector.shape_cast %get3A_1536 : vector<16xi32> to vector<16xi32>
    %get3A_1538 = arith.constant 112 : index
    %get3A_1539 = tpu.vector_load %arg6[%get3A_1538] {strides = array<i32>} : memref<1024xf32, #tpu.memory_space<vmem>>, vector<16xf32>,
    %get3A_1540 = vector.shape_cast %get3A_1539 : vector<16xf32> to vector<16xf32>
    %eq3A_1541 = vector.broadcast %add3A_818 : i32 to vector<16xi32>
    %eq3A_1542 = arith.cmpi eq, %get3A_1537, %eq3A_1541 : vector<16xi32>
    %jit3A_1543 = arith.constant 0.000000e+00 : f32
    %broadcast_in_dim3A_1544 = vector.broadcast %jit3A_1543 : f32 to vector<16xf32>
    %select_n3A_1545 = arith.select %eq3A_1542, %get3A_1540, %broadcast_in_dim3A_1544 : vector<16xi1>, vector<16xf32>
    %add3A_1546 = arith.addf %broadcast_in_dim3A_1534, %select_n3A_1545 : vector<16xf32>
    %get3A_1547 = arith.constant 240 : index
    %get3A_1548 = tpu.vector_load %arg5[%get3A_1547] {strides = array<i32>} : memref<1024xi32, #tpu.memory_space<vmem>>, vector<16xi32>,
    %get3A_1549 = vector.shape_cast %get3A_1548 : vector<16xi32> to vector<16xi32>
    %get3A_1550 = arith.constant 240 : index
    %get3A_1551 = tpu.vector_load %arg6[%get3A_1550] {strides = array<i32>} : memref<1024xf32, #tpu.memory_space<vmem>>, vector<16xf32>,
    %get3A_1552 = vector.shape_cast %get3A_1551 : vector<16xf32> to vector<16xf32>
    %eq3A_1553 = vector.broadcast %add3A_818 : i32 to vector<16xi32>
    %eq3A_1554 = arith.cmpi eq, %get3A_1549, %eq3A_1553 : vector<16xi32>
    %jit3A_1555 = arith.constant 0.000000e+00 : f32
    %broadcast_in_dim3A_1556 = vector.broadcast %jit3A_1555 : f32 to vector<16xf32>
    %select_n3A_1557 = arith.select %eq3A_1554, %get3A_1552, %broadcast_in_dim3A_1556 : vector<16xi1>, vector<16xf32>
    %add3A_1558 = arith.addf %add3A_1546, %select_n3A_1557 : vector<16xf32>
    %get3A_1559 = arith.constant 368 : index
    %get3A_1560 = tpu.vector_load %arg5[%get3A_1559] {strides = array<i32>} : memref<1024xi32, #tpu.memory_space<vmem>>, vector<16xi32>,
    %get3A_1561 = vector.shape_cast %get3A_1560 : vector<16xi32> to vector<16xi32>
    %get3A_1562 = arith.constant 368 : index
    %get3A_1563 = tpu.vector_load %arg6[%get3A_1562] {strides = array<i32>} : memref<1024xf32, #tpu.memory_space<vmem>>, vector<16xf32>,
    %get3A_1564 = vector.shape_cast %get3A_1563 : vector<16xf32> to vector<16xf32>
    %eq3A_1565 = vector.broadcast %add3A_818 : i32 to vector<16xi32>
    %eq3A_1566 = arith.cmpi eq, %get3A_1561, %eq3A_1565 : vector<16xi32>
    %jit3A_1567 = arith.constant 0.000000e+00 : f32
    %broadcast_in_dim3A_1568 = vector.broadcast %jit3A_1567 : f32 to vector<16xf32>
    %select_n3A_1569 = arith.select %eq3A_1566, %get3A_1564, %broadcast_in_dim3A_1568 : vector<16xi1>, vector<16xf32>
    %add3A_1570 = arith.addf %add3A_1558, %select_n3A_1569 : vector<16xf32>
    %get3A_1571 = arith.constant 496 : index
    %get3A_1572 = tpu.vector_load %arg5[%get3A_1571] {strides = array<i32>} : memref<1024xi32, #tpu.memory_space<vmem>>, vector<16xi32>,
    %get3A_1573 = vector.shape_cast %get3A_1572 : vector<16xi32> to vector<16xi32>
    %get3A_1574 = arith.constant 496 : index
    %get3A_1575 = tpu.vector_load %arg6[%get3A_1574] {strides = array<i32>} : memref<1024xf32, #tpu.memory_space<vmem>>, vector<16xf32>,
    %get3A_1576 = vector.shape_cast %get3A_1575 : vector<16xf32> to vector<16xf32>
    %eq3A_1577 = vector.broadcast %add3A_818 : i32 to vector<16xi32>
    %eq3A_1578 = arith.cmpi eq, %get3A_1573, %eq3A_1577 : vector<16xi32>
    %jit3A_1579 = arith.constant 0.000000e+00 : f32
    %broadcast_in_dim3A_1580 = vector.broadcast %jit3A_1579 : f32 to vector<16xf32>
    %select_n3A_1581 = arith.select %eq3A_1578, %get3A_1576, %broadcast_in_dim3A_1580 : vector<16xi1>, vector<16xf32>
    %add3A_1582 = arith.addf %add3A_1570, %select_n3A_1581 : vector<16xf32>
    %get3A_1583 = arith.constant 624 : index
    %get3A_1584 = tpu.vector_load %arg5[%get3A_1583] {strides = array<i32>} : memref<1024xi32, #tpu.memory_space<vmem>>, vector<16xi32>,
    %get3A_1585 = vector.shape_cast %get3A_1584 : vector<16xi32> to vector<16xi32>
    %get3A_1586 = arith.constant 624 : index
    %get3A_1587 = tpu.vector_load %arg6[%get3A_1586] {strides = array<i32>} : memref<1024xf32, #tpu.memory_space<vmem>>, vector<16xf32>,
    %get3A_1588 = vector.shape_cast %get3A_1587 : vector<16xf32> to vector<16xf32>
    %eq3A_1589 = vector.broadcast %add3A_818 : i32 to vector<16xi32>
    %eq3A_1590 = arith.cmpi eq, %get3A_1585, %eq3A_1589 : vector<16xi32>
    %jit3A_1591 = arith.constant 0.000000e+00 : f32
    %broadcast_in_dim3A_1592 = vector.broadcast %jit3A_1591 : f32 to vector<16xf32>
    %select_n3A_1593 = arith.select %eq3A_1590, %get3A_1588, %broadcast_in_dim3A_1592 : vector<16xi1>, vector<16xf32>
    %add3A_1594 = arith.addf %add3A_1582, %select_n3A_1593 : vector<16xf32>
    %get3A_1595 = arith.constant 752 : index
    %get3A_1596 = tpu.vector_load %arg5[%get3A_1595] {strides = array<i32>} : memref<1024xi32, #tpu.memory_space<vmem>>, vector<16xi32>,
    %get3A_1597 = vector.shape_cast %get3A_1596 : vector<16xi32> to vector<16xi32>
    %get3A_1598 = arith.constant 752 : index
    %get3A_1599 = tpu.vector_load %arg6[%get3A_1598] {strides = array<i32>} : memref<1024xf32, #tpu.memory_space<vmem>>, vector<16xf32>,
    %get3A_1600 = vector.shape_cast %get3A_1599 : vector<16xf32> to vector<16xf32>
    %eq3A_1601 = vector.broadcast %add3A_818 : i32 to vector<16xi32>
    %eq3A_1602 = arith.cmpi eq, %get3A_1597, %eq3A_1601 : vector<16xi32>
    %jit3A_1603 = arith.constant 0.000000e+00 : f32
    %broadcast_in_dim3A_1604 = vector.broadcast %jit3A_1603 : f32 to vector<16xf32>
    %select_n3A_1605 = arith.select %eq3A_1602, %get3A_1600, %broadcast_in_dim3A_1604 : vector<16xi1>, vector<16xf32>
    %add3A_1606 = arith.addf %add3A_1594, %select_n3A_1605 : vector<16xf32>
    %get3A_1607 = arith.constant 880 : index
    %get3A_1608 = tpu.vector_load %arg5[%get3A_1607] {strides = array<i32>} : memref<1024xi32, #tpu.memory_space<vmem>>, vector<16xi32>,
    %get3A_1609 = vector.shape_cast %get3A_1608 : vector<16xi32> to vector<16xi32>
    %get3A_1610 = arith.constant 880 : index
    %get3A_1611 = tpu.vector_load %arg6[%get3A_1610] {strides = array<i32>} : memref<1024xf32, #tpu.memory_space<vmem>>, vector<16xf32>,
    %get3A_1612 = vector.shape_cast %get3A_1611 : vector<16xf32> to vector<16xf32>
    %eq3A_1613 = vector.broadcast %add3A_818 : i32 to vector<16xi32>
    %eq3A_1614 = arith.cmpi eq, %get3A_1609, %eq3A_1613 : vector<16xi32>
    %jit3A_1615 = arith.constant 0.000000e+00 : f32
    %broadcast_in_dim3A_1616 = vector.broadcast %jit3A_1615 : f32 to vector<16xf32>
    %select_n3A_1617 = arith.select %eq3A_1614, %get3A_1612, %broadcast_in_dim3A_1616 : vector<16xi1>, vector<16xf32>
    %add3A_1618 = arith.addf %add3A_1606, %select_n3A_1617 : vector<16xf32>
    %get3A_1619 = arith.constant 1008 : index
    %get3A_1620 = tpu.vector_load %arg5[%get3A_1619] {strides = array<i32>} : memref<1024xi32, #tpu.memory_space<vmem>>, vector<16xi32>,
    %get3A_1621 = vector.shape_cast %get3A_1620 : vector<16xi32> to vector<16xi32>
    %get3A_1622 = arith.constant 1008 : index
    %get3A_1623 = tpu.vector_load %arg6[%get3A_1622] {strides = array<i32>} : memref<1024xf32, #tpu.memory_space<vmem>>, vector<16xf32>,
    %get3A_1624 = vector.shape_cast %get3A_1623 : vector<16xf32> to vector<16xf32>
    %eq3A_1625 = vector.broadcast %add3A_818 : i32 to vector<16xi32>
    %eq3A_1626 = arith.cmpi eq, %get3A_1621, %eq3A_1625 : vector<16xi32>
    %jit3A_1627 = arith.constant 0.000000e+00 : f32
    %broadcast_in_dim3A_1628 = vector.broadcast %jit3A_1627 : f32 to vector<16xf32>
    %select_n3A_1629 = arith.select %eq3A_1626, %get3A_1624, %broadcast_in_dim3A_1628 : vector<16xi1>, vector<16xf32>
    %add3A_1630 = arith.addf %add3A_1618, %select_n3A_1629 : vector<16xf32>
    %swap3A_1631 = arith.constant 112 : index
    %swap3A_1632 = tpu.vector_load %arg7[%swap3A_1631] {strides = array<i32>} : memref<128xf32, #tpu.memory_space<vmem>>, vector<16xf32>,
    %swap3A_1633 = vector.shape_cast %swap3A_1632 : vector<16xf32> to vector<16xf32>
    %swap3A_1634 = vector.shape_cast %add3A_1630 : vector<16xf32> to vector<16xf32>
    tpu.vector_store %arg7[%swap3A_1631], %swap3A_1634 {strides = array<i32>} : memref<128xf32, #tpu.memory_space<vmem>>, vector<16xf32>,
    "tpu.region"() ({
      %run_scoped3A = tpu.sem_alloc : memref<!tpu.dma_semaphore, #tpu.memory_space<semaphore_mem>>
      %dma_start3A = arith.constant 0 : i32
      %dma_start3A_1635 = tpu.memref_slice %arg4[%add3A_818, %dma_start3A] : memref<64x128xf32, #tpu.memory_space<hbm>> -> memref<1x128xf32, #tpu.memory_space<hbm>>
      %dma_start3A_1636 = tpu.memref_squeeze %dma_start3A_1635 : memref<1x128xf32, #tpu.memory_space<hbm>> -> memref<128xf32, #tpu.memory_space<hbm>>
      %dma_start3A_1637 = arith.constant 0 : i32
      %dma_start3A_1638 = tpu.memref_slice %arg4[%add3A_818, %dma_start3A_1637] : memref<64x128xf32, #tpu.memory_space<hbm>> -> memref<1x128xf32, #tpu.memory_space<hbm>>
      %dma_start3A_1639 = tpu.memref_squeeze %dma_start3A_1638 : memref<1x128xf32, #tpu.memory_space<hbm>> -> memref<128xf32, #tpu.memory_space<hbm>>
      tpu.enqueue_dma source(%arg7 : memref<128xf32, #tpu.memory_space<vmem>>) target(%dma_start3A_1639 : memref<128xf32, #tpu.memory_space<hbm>>) target_semaphore(%run_scoped3A : memref<!tpu.dma_semaphore, #tpu.memory_space<semaphore_mem>>)
      %dma_wait3A = arith.constant 0 : i32
      %dma_wait3A_1640 = tpu.memref_slice %arg4[%add3A_818, %dma_wait3A] : memref<64x128xf32, #tpu.memory_space<hbm>> -> memref<1x128xf32, #tpu.memory_space<hbm>>
      %dma_wait3A_1641 = tpu.memref_squeeze %dma_wait3A_1640 : memref<1x128xf32, #tpu.memory_space<hbm>> -> memref<128xf32, #tpu.memory_space<hbm>>
      %dma_wait3A_1642 = arith.constant 0 : i32
      %dma_wait3A_1643 = tpu.memref_slice %arg4[%add3A_818, %dma_wait3A_1642] : memref<64x128xf32, #tpu.memory_space<hbm>> -> memref<1x128xf32, #tpu.memory_space<hbm>>
      %dma_wait3A_1644 = tpu.memref_squeeze %dma_wait3A_1643 : memref<1x128xf32, #tpu.memory_space<hbm>> -> memref<128xf32, #tpu.memory_space<hbm>>
      tpu.wait_dma2 semaphore(%run_scoped3A : memref<!tpu.dma_semaphore, #tpu.memory_space<semaphore_mem>>) src(%arg7 : memref<128xf32, #tpu.memory_space<vmem>>) dst(%dma_wait3A_1644 : memref<128xf32, #tpu.memory_space<hbm>>)
      tpu.yield
    }) : () -> ()
    return
  }
}

module attributes {stable_mosaic.version = 14 : i64} {
  func.func @_moe_step(%arg0: i32, %arg1: memref<1x2x128xf32, #tpu.memory_space<vmem>>, %arg2: memref<128x1024xf32, #tpu.memory_space<vmem>>, %arg3: memref<2x512x1024xf32, #tpu.memory_space<vmem>>, %arg4: memref<2x512x1024xf32, #tpu.memory_space<vmem>>, %arg5: memref<2x1024x512xf32, #tpu.memory_space<vmem>>, %arg6: memref<128x1024xf32, #tpu.memory_space<vmem>>) attributes {dimension_semantics = [#tpu.dimension_semantics<arbitrary>], iteration_bounds = array<i64: 32>, scalar_prefetch = 0 : i64, scratch_operands = 0 : i64, tpu.core_type = #tpu.core_type<tc>, window_params = [{transform_indices = @transform_0, window_bounds = array<i64: 1, 2, 128>}, {pipeline_mode = #tpu.pipeline_mode<synchronous>, transform_indices = @transform_1, window_bounds = array<i64: 128, 1024>}, {transform_indices = @transform_2, window_bounds = array<i64: 2, 512, 1024>}, {transform_indices = @transform_3, window_bounds = array<i64: 2, 512, 1024>}, {transform_indices = @transform_4, window_bounds = array<i64: 2, 1024, 512>}, {pipeline_mode = #tpu.pipeline_mode<synchronous>, transform_indices = @transform_5, window_bounds = array<i64: 128, 1024>}]} {
    %get3A = arith.constant 0 : index
    %get3A_0 = arith.constant 0 : index
    %get3A_1 = vector.load %arg2[%get3A, %get3A_0] : memref<128x1024xf32, #tpu.memory_space<vmem>>, vector<128x1024xf32>
    %iota3A = tpu.iota {dimensions = array<i32: 0>} : vector<128x128xi32>
    %iota3A_2 = tpu.iota {dimensions = array<i32: 1>} : vector<128x128xi32>
    %eq3A = arith.cmpi eq, %iota3A, %iota3A_2 : vector<128x128xi32>
    %convert_element_type3A = arith.extui %eq3A : vector<128x128xi1> to vector<128x128xi32>
    %convert_element_type3A_3 = arith.sitofp %convert_element_type3A : vector<128x128xi32> to vector<128x128xf32>
    %get3A_4 = arith.constant 0 : index
    %get3A_5 = arith.constant 0 : index
    %get3A_6 = arith.constant 0 : index
    %get3A_7 = vector.load %arg3[%get3A_4, %get3A_5, %get3A_6] : memref<2x512x1024xf32, #tpu.memory_space<vmem>>, vector<1x512x1024xf32>
    %get3A_8 = vector.shape_cast %get3A_7 : vector<1x512x1024xf32> to vector<512x1024xf32>
    %dot_general3A = arith.constant dense<0.000000e+00> : vector<128x512xf32>
    %dot_general3A_9 = tpu.matmul %get3A_1, %get3A_8, %dot_general3A {dimension_numbers = #tpu.dot_dimension_numbers<[1], [1], [0], [0], [0, 0, 1, 0], [], []>, transpose_lhs_hint = false} : vector<128x1024xf32>, vector<512x1024xf32>, vector<128x512xf32> -> vector<128x512xf32>
    %get3A_10 = arith.constant 0 : index
    %get3A_11 = arith.constant 0 : index
    %get3A_12 = arith.constant 0 : index
    %get3A_13 = vector.load %arg4[%get3A_10, %get3A_11, %get3A_12] : memref<2x512x1024xf32, #tpu.memory_space<vmem>>, vector<1x512x1024xf32>
    %get3A_14 = vector.shape_cast %get3A_13 : vector<1x512x1024xf32> to vector<512x1024xf32>
    %dot_general3A_15 = arith.constant dense<0.000000e+00> : vector<128x512xf32>
    %dot_general3A_16 = tpu.matmul %get3A_1, %get3A_14, %dot_general3A_15 {dimension_numbers = #tpu.dot_dimension_numbers<[1], [1], [0], [0], [0, 0, 1, 0], [], []>, transpose_lhs_hint = false} : vector<128x1024xf32>, vector<512x1024xf32>, vector<128x512xf32> -> vector<128x512xf32>
    %logistic3A = arith.negf %dot_general3A_9 : vector<128x512xf32>
    %logistic3A_17 = math.exp %logistic3A : vector<128x512xf32>
    %logistic3A_18 = arith.constant 1.000000e+00 : f32
    %logistic3A_19 = vector.broadcast %logistic3A_18 : f32 to vector<128x512xf32>
    %logistic3A_20 = arith.addf %logistic3A_19, %logistic3A_17 : vector<128x512xf32>
    %logistic3A_21 = arith.divf %logistic3A_19, %logistic3A_20 : vector<128x512xf32>
    %mul3A = arith.mulf %dot_general3A_9, %logistic3A_21 : vector<128x512xf32>
    %mul3A_22 = arith.mulf %mul3A, %dot_general3A_16 : vector<128x512xf32>
    %get3A_23 = arith.constant 0 : index
    %get3A_24 = arith.constant 0 : index
    %get3A_25 = arith.constant 0 : index
    %get3A_26 = vector.load %arg1[%get3A_23, %get3A_24, %get3A_25] : memref<1x2x128xf32, #tpu.memory_space<vmem>>, vector<1x1x128xf32>
    %get3A_27 = vector.shape_cast %get3A_26 : vector<1x1x128xf32> to vector<128xf32>
    %reshape3A = vector.shape_cast %get3A_27 : vector<128xf32> to vector<1x128xf32>
    %dot_general3A_28 = arith.constant dense<0.000000e+00> : vector<128x1xf32>
    %dot_general3A_29 = tpu.matmul %convert_element_type3A_3, %reshape3A, %dot_general3A_28 {dimension_numbers = #tpu.dot_dimension_numbers<[1], [1], [0], [0], [0, 0, 1, 0], [], []>, transpose_lhs_hint = false} : vector<128x128xf32>, vector<1x128xf32>, vector<128x1xf32> -> vector<128x1xf32>
    %mul3A_30 = vector.broadcast %dot_general3A_29 : vector<128x1xf32> to vector<128x512xf32>
    %mul3A_31 = arith.mulf %mul3A_22, %mul3A_30 : vector<128x512xf32>
    %get3A_32 = arith.constant 0 : index
    %get3A_33 = arith.constant 0 : index
    %get3A_34 = arith.constant 0 : index
    %get3A_35 = vector.load %arg5[%get3A_32, %get3A_33, %get3A_34] : memref<2x1024x512xf32, #tpu.memory_space<vmem>>, vector<1x1024x512xf32>
    %get3A_36 = vector.shape_cast %get3A_35 : vector<1x1024x512xf32> to vector<1024x512xf32>
    %dot_general3A_37 = arith.constant dense<0.000000e+00> : vector<128x1024xf32>
    %dot_general3A_38 = tpu.matmul %mul3A_31, %get3A_36, %dot_general3A_37 {dimension_numbers = #tpu.dot_dimension_numbers<[1], [1], [0], [0], [0, 0, 1, 0], [], []>, transpose_lhs_hint = false} : vector<128x512xf32>, vector<1024x512xf32>, vector<128x1024xf32> -> vector<128x1024xf32>
    %get3A_39 = arith.constant 1 : index
    %get3A_40 = arith.constant 0 : index
    %get3A_41 = arith.constant 0 : index
    %get3A_42 = vector.load %arg3[%get3A_39, %get3A_40, %get3A_41] : memref<2x512x1024xf32, #tpu.memory_space<vmem>>, vector<1x512x1024xf32>
    %get3A_43 = vector.shape_cast %get3A_42 : vector<1x512x1024xf32> to vector<512x1024xf32>
    %dot_general3A_44 = arith.constant dense<0.000000e+00> : vector<128x512xf32>
    %dot_general3A_45 = tpu.matmul %get3A_1, %get3A_43, %dot_general3A_44 {dimension_numbers = #tpu.dot_dimension_numbers<[1], [1], [0], [0], [0, 0, 1, 0], [], []>, transpose_lhs_hint = false} : vector<128x1024xf32>, vector<512x1024xf32>, vector<128x512xf32> -> vector<128x512xf32>
    %get3A_46 = arith.constant 1 : index
    %get3A_47 = arith.constant 0 : index
    %get3A_48 = arith.constant 0 : index
    %get3A_49 = vector.load %arg4[%get3A_46, %get3A_47, %get3A_48] : memref<2x512x1024xf32, #tpu.memory_space<vmem>>, vector<1x512x1024xf32>
    %get3A_50 = vector.shape_cast %get3A_49 : vector<1x512x1024xf32> to vector<512x1024xf32>
    %dot_general3A_51 = arith.constant dense<0.000000e+00> : vector<128x512xf32>
    %dot_general3A_52 = tpu.matmul %get3A_1, %get3A_50, %dot_general3A_51 {dimension_numbers = #tpu.dot_dimension_numbers<[1], [1], [0], [0], [0, 0, 1, 0], [], []>, transpose_lhs_hint = false} : vector<128x1024xf32>, vector<512x1024xf32>, vector<128x512xf32> -> vector<128x512xf32>
    %logistic3A_53 = arith.negf %dot_general3A_45 : vector<128x512xf32>
    %logistic3A_54 = math.exp %logistic3A_53 : vector<128x512xf32>
    %logistic3A_55 = arith.constant 1.000000e+00 : f32
    %logistic3A_56 = vector.broadcast %logistic3A_55 : f32 to vector<128x512xf32>
    %logistic3A_57 = arith.addf %logistic3A_56, %logistic3A_54 : vector<128x512xf32>
    %logistic3A_58 = arith.divf %logistic3A_56, %logistic3A_57 : vector<128x512xf32>
    %mul3A_59 = arith.mulf %dot_general3A_45, %logistic3A_58 : vector<128x512xf32>
    %mul3A_60 = arith.mulf %mul3A_59, %dot_general3A_52 : vector<128x512xf32>
    %get3A_61 = arith.constant 0 : index
    %get3A_62 = arith.constant 1 : index
    %get3A_63 = arith.constant 0 : index
    %get3A_64 = vector.load %arg1[%get3A_61, %get3A_62, %get3A_63] : memref<1x2x128xf32, #tpu.memory_space<vmem>>, vector<1x1x128xf32>
    %get3A_65 = vector.shape_cast %get3A_64 : vector<1x1x128xf32> to vector<128xf32>
    %reshape3A_66 = vector.shape_cast %get3A_65 : vector<128xf32> to vector<1x128xf32>
    %dot_general3A_67 = arith.constant dense<0.000000e+00> : vector<128x1xf32>
    %dot_general3A_68 = tpu.matmul %convert_element_type3A_3, %reshape3A_66, %dot_general3A_67 {dimension_numbers = #tpu.dot_dimension_numbers<[1], [1], [0], [0], [0, 0, 1, 0], [], []>, transpose_lhs_hint = false} : vector<128x128xf32>, vector<1x128xf32>, vector<128x1xf32> -> vector<128x1xf32>
    %mul3A_69 = vector.broadcast %dot_general3A_68 : vector<128x1xf32> to vector<128x512xf32>
    %mul3A_70 = arith.mulf %mul3A_60, %mul3A_69 : vector<128x512xf32>
    %get3A_71 = arith.constant 1 : index
    %get3A_72 = arith.constant 0 : index
    %get3A_73 = arith.constant 0 : index
    %get3A_74 = vector.load %arg5[%get3A_71, %get3A_72, %get3A_73] : memref<2x1024x512xf32, #tpu.memory_space<vmem>>, vector<1x1024x512xf32>
    %get3A_75 = vector.shape_cast %get3A_74 : vector<1x1024x512xf32> to vector<1024x512xf32>
    %dot_general3A_76 = arith.constant dense<0.000000e+00> : vector<128x1024xf32>
    %dot_general3A_77 = tpu.matmul %mul3A_70, %get3A_75, %dot_general3A_76 {dimension_numbers = #tpu.dot_dimension_numbers<[1], [1], [0], [0], [0, 0, 1, 0], [], []>, transpose_lhs_hint = false} : vector<128x512xf32>, vector<1024x512xf32>, vector<128x1024xf32> -> vector<128x1024xf32>
    %add3A = arith.addf %dot_general3A_38, %dot_general3A_77 : vector<128x1024xf32>
    %eq3A_78 = arith.constant 0 : i32
    %eq3A_79 = arith.cmpi eq, %arg0, %eq3A_78 : i32
    %convert_element_type3A_80 = arith.extui %eq3A_79 : i1 to i32
    %cond3A = arith.constant 0 : i32
    %cond3A_81 = arith.cmpi ne, %convert_element_type3A_80, %cond3A : i32
    scf.if %cond3A_81 {
      %swap3A = arith.constant 0 : index
      %swap3A_86 = arith.constant 0 : index
      %swap3A_87 = vector.load %arg6[%swap3A, %swap3A_86] : memref<128x1024xf32, #tpu.memory_space<vmem>>, vector<128x1024xf32>
      tpu.vector_store %arg6[%swap3A, %swap3A_86], %add3A {strides = array<i32>} : memref<128x1024xf32, #tpu.memory_space<vmem>>, vector<128x1024xf32>,
    } else {
    }
    %ne3A = arith.constant 0 : i32
    %ne3A_82 = arith.cmpi ne, %arg0, %ne3A : i32
    %convert_element_type3A_83 = arith.extui %ne3A_82 : i1 to i32
    %cond3A_84 = arith.constant 0 : i32
    %cond3A_85 = arith.cmpi ne, %convert_element_type3A_83, %cond3A_84 : i32
    scf.if %cond3A_85 {
      %get3A_86 = arith.constant 0 : index
      %get3A_87 = arith.constant 0 : index
      %get3A_88 = vector.load %arg6[%get3A_86, %get3A_87] : memref<128x1024xf32, #tpu.memory_space<vmem>>, vector<128x1024xf32>
      %add3A_89 = arith.addf %get3A_88, %add3A : vector<128x1024xf32>
      %swap3A = arith.constant 0 : index
      %swap3A_90 = arith.constant 0 : index
      %swap3A_91 = vector.load %arg6[%swap3A, %swap3A_90] : memref<128x1024xf32, #tpu.memory_space<vmem>>, vector<128x1024xf32>
      tpu.vector_store %arg6[%swap3A, %swap3A_90], %add3A_89 {strides = array<i32>} : memref<128x1024xf32, #tpu.memory_space<vmem>>, vector<128x1024xf32>,
    } else {
    }
    return
  }
  func.func @transform_0(%arg0: i32) -> (i32, i32, i32) {
    %c0_i32 = arith.constant 0 : i32
    %c0_i32_0 = arith.constant 0 : i32
    %c0_i32_1 = arith.constant 0 : i32
    return %arg0, %c0_i32, %c0_i32_0 : i32, i32, i32
  }
  func.func @transform_1(%arg0: i32) -> (i32, i32) {
    %c0_i32 = arith.constant 0 : i32
    %c0_i32_0 = arith.constant 0 : i32
    %c0_i32_1 = arith.constant 0 : i32
    return %c0_i32, %c0_i32_0 : i32, i32
  }
  func.func @transform_2(%arg0: i32) -> (i32, i32, i32) {
    %c0_i32 = arith.constant 0 : i32
    %c0_i32_0 = arith.constant 0 : i32
    %c0_i32_1 = arith.constant 0 : i32
    return %arg0, %c0_i32, %c0_i32_0 : i32, i32, i32
  }
  func.func @transform_3(%arg0: i32) -> (i32, i32, i32) {
    %c1_i32 = arith.constant 1 : i32
    %c0_i32 = arith.constant 0 : i32
    %c0_i32_0 = arith.constant 0 : i32
    return %arg0, %c1_i32, %c0_i32 : i32, i32, i32
  }
  func.func @transform_4(%arg0: i32) -> (i32, i32, i32) {
    %c0_i32 = arith.constant 0 : i32
    %c0_i32_0 = arith.constant 0 : i32
    %c0_i32_1 = arith.constant 0 : i32
    return %arg0, %c0_i32, %c0_i32_0 : i32, i32, i32
  }
  func.func @transform_5(%arg0: i32) -> (i32, i32) {
    %c0_i32 = arith.constant 0 : i32
    %c0_i32_0 = arith.constant 0 : i32
    %c0_i32_1 = arith.constant 0 : i32
    return %c0_i32, %c0_i32_0 : i32, i32
  }
}

</mosaic_0001>

<sc_bundles>
// kernel: kernel.4.cloned.1.call-start
scs
__scs_entry_jumppad:
0x0: {  	(pc) =	sbr.rel $0x88, $3  }
0x1: {  	(tag) =	ssettag $0x0;
	lr =	simm.s32 $0x1  }
0x2: {  	[smem:$0x3F9C] =	sst lr;
	_ =	strace $0xD0000000  }
0x3: {  	_ = 	snop  }
0x4: {  	_ = 	snop  }
0x5: {  	_ = 	snop  }
0x6: {  	_ = 	snop  }
0x7: {  	_ = 	snop  }
__scs_overlays_trampoline_lowered:
0x8: {  	[smem:$0x3FAB] =	sst s0  }
0x9: {  	[smem:$0x3FAC] =	sst s1  }
0xa: {  	[smem:$0x3FAD] =	sst s2  }
0xb: {  	[smem:$0x3FAE] =	sst s3  }
0xc: {  	[smem:$0x3FAF] =	sst s4  }
0xd: {  	[smem:$0x3FB0] =	sst s5  }
0xe: {  	[smem:$0x3FB1] =	sst s6  }
0xf: {  	[smem:$0x3FB2] =	sst s7  }
0x10: {  	[smem:$0x3FB3] =	sst s8  }
0x11: {  	[smem:$0x3FB4] =	sst s9;
	s0 =	simm.s32 @!p0 $0x0  }
0x12: {  	s1 =	sld [smem:$0x3F9A];
	s0 =	simm.s32 @p0 $0x1  }
0x13: {  	[smem:$0x3FB5] =	sst s0;
	s0 =	simm.s32 @!p1 $0x0  }
0x14: {  	s2 =	sld [smem:$0x3F99];
	s0 =	simm.s32 @p1 $0x1  }
0x15: {  	[smem:$0x3FB6] =	sst s0;
	s0 =	simm.s32 @!p2 $0x0  }
0x16: {  	s3 =	sld [smem:$0x3FDB];
	s0 =	simm.s32 @p2 $0x1  }
0x17: {  	s4 =	simm.s32 $0x1BF5;
	[smem:$0x3FB8] =	sst s0  }
0x18: {  	s0 =	sld [smem:$0x3F9B];
	_ =	swait.ge [sflag:s4], $0x0  }
0x19: {  	s7 =	sld [smem:$0x3F9C]  }
0x1a: {  	s8 =	sadd.s32 $0xFFFFE003, lr  }
0x1b: {  	s9 =	sadd.s32 $0xFFFFFEF7, lr;
	s5 =	simm.s32 $0xFFFFFFFF;
	p2 =	slt.u32 s8, $0xFFFFF086  }
0x1c: {  	p1 =	slt.u32 s9, $0xF7A;
	s5 =	simm.s32 @!p2 $0x0  }
0x1d: {  	s5 =	simm.s32 @p1 $0x1;
	p0 =	seq.s32 s7, s2  }
0x1e: {  	s7 =	smul.u32 @!p0 $0xF7A, s2;
	p2 =	seq.s32 @!p0 s5, $0x0  }
0x1f: {  	s9 =	smul.u32 $0xF7A, s1;
	s8 =	simm.s32 @!p0 $0x1BF5;
	p2 =	por !p2, p0  }
0x20: {  	[sflag:s8] =	ssyncset.s32 @!p0 $0xFFFFF086;
	s6 =	sadd.s32 @!p0 s3, s7;
	s7 =	simm.s32 @!p0 $0x108  }
0x21: {  	s3 =	sadd.s32 s3, s9;
	s6 =	sadd.s32 @!p0 $0x88, s6;
	s7 =	simm.s32 @p2 $0x1082  }
0x22: {  	[simem:s7], [sflag:s8] =	dma.local @!p0 [hbm:s6], $0xF7A  }
0x23: {  	s9 =	sor.u32 $0xD0000000, s2;
	s6 =	simm.s32 $0x108;
	_ =	swait.ge @!p0 [sflag:s8], $0x0  }
0x24: {  	s3 =	sadd.s32 $0x88, s3;
	s6 =	simm.s32 @!p1 $0x1082;
	[sflag:s4] =	ssyncset.s32 $0xFFFFF086  }
0x25: {  	[simem:s6], [sflag:s4] =	dma.local [hbm:s3], $0xF7A  }
0x26: {  	[smem:$0x3F9C] =	sst s1;
	(tag) =	ssettag s2;
	_ =	strace s9  }
0x27: {  	s1 =	sld [smem:$0x3FAC]  }
0x28: {  	s2 =	sld [smem:$0x3FAD]  }
0x29: {  	s4 =	sld [smem:$0x3FAF]  }
0x2a: {  	p0 =	seq.s32 s5, $0x0;
	s5 =	sld [smem:$0x3FB0]  }
0x2b: {  	s6 =	sld [smem:$0x3FB1]  }
0x2c: {  	s7 =	sld [smem:$0x3FB2]  }
0x2d: {  	s3 =	simm.s32 $0x108;
	s8 =	sld [smem:$0x3FB3]  }
0x2e: {  	s3 =	simm.s32 @!p0 $0x1082;
	s9 =	sld [smem:$0x3FB4]  }
0x2f: {  	lr =	sadd.s32 s0, s3;
	s0 =	sld [smem:$0x3FAB]  }
0x30: {  	s3 =	sld [smem:$0x3FAE]  }
0x31: {  	[smem:$0x3FB7] =	sst s10  }
0x32: {  	s10 =	sld [smem:$0x3FB5];
	_ =	sdelay $0x3  }
0x33: {  	p0 =	seq.s32 s10, $0x1;
	s10 =	sld [smem:$0x3FB7];
	_ =	sdelay $0x3  }
0x34: {  	[smem:$0x3FB7] =	sst s10  }
0x35: {  	s10 =	sld [smem:$0x3FB6];
	_ =	sdelay $0x3  }
0x36: {  	p1 =	seq.s32 s10, $0x1;
	s10 =	sld [smem:$0x3FB7];
	_ =	sdelay $0x3  }
0x37: {  	[smem:$0x3FB7] =	sst s10  }
0x38: {  	s10 =	sld [smem:$0x3FB8]  }
0x39: {  	_ = 	snop;
	(pc) =	sbr.ind lr, $3  }
0x3a: {  	_ = 	snop  }
0x3b: {  	_ = 	snop  }
0x3c: {  	p2 =	seq.s32 s10, $0x1;
	s10 =	sld [smem:$0x3FB7]  }
0x3d: {  	_ =	shalt  }
0x3e: {  	_ =	shalt  }
0x3f: {  	_ =	shalt  }
0x40: {  	_ =	shalt  }
0x41: {  	_ =	shalt  }
0x42: {  	_ =	shalt  }
0x43: {  	_ =	shalt  }
0x44: {  	_ =	shalt  }
0x45: {  	_ =	shalt  }
0x46: {  	_ =	shalt  }
0x47: {  	_ =	shalt  }
0x48: {  	_ =	shalt  }
0x49: {  	_ =	shalt  }
0x4a: {  	_ =	shalt  }
0x4b: {  	_ =	shalt  }
0x4c: {  	_ =	shalt  }
0x4d: {  	_ =	shalt  }
0x4e: {  	_ =	shalt  }
0x4f: {  	_ =	shalt  }
0x50: {  	_ =	shalt  }
0x51: {  	_ =	shalt  }
0x52: {  	_ =	shalt  }
0x53: {  	_ =	shalt  }
0x54: {  	_ =	shalt  }
0x55: {  	_ =	shalt  }
0x56: {  	_ =	shalt  }
0x57: {  	_ =	shalt  }
0x58: {  	_ =	shalt  }
0x59: {  	_ =	shalt  }
0x5a: {  	_ =	shalt  }
0x5b: {  	_ =	shalt  }
0x5c: {  	_ =	shalt  }
0x5d: {  	_ =	shalt  }
0x5e: {  	_ =	shalt  }
0x5f: {  	_ =	shalt  }
0x60: {  	_ =	shalt  }
0x61: {  	_ =	shalt  }
0x62: {  	_ =	shalt  }
0x63: {  	_ =	shalt  }
0x64: {  	_ =	shalt  }
0x65: {  	_ =	shalt  }
0x66: {  	_ =	shalt  }
0x67: {  	_ =	shalt  }
0x68: {  	_ =	shalt  }
0x69: {  	_ =	shalt  }
0x6a: {  	_ =	shalt  }
0x6b: {  	_ =	shalt  }
0x6c: {  	_ =	shalt  }
0x6d: {  	_ =	shalt  }
0x6e: {  	_ =	shalt  }
0x6f: {  	_ =	shalt  }
0x70: {  	_ =	shalt  }
0x71: {  	_ =	shalt  }
0x72: {  	_ =	shalt  }
0x73: {  	_ =	shalt  }
0x74: {  	_ =	shalt  }
0x75: {  	_ =	shalt  }
0x76: {  	_ =	shalt  }
0x77: {  	_ =	shalt  }
0x78: {  	_ =	shalt  }
0x79: {  	_ =	shalt  }
0x7a: {  	_ =	shalt  }
0x7b: {  	_ =	shalt  }
0x7c: {  	_ =	shalt  }
0x7d: {  	_ =	shalt  }
0x7e: {  	_ =	shalt  }
0x7f: {  	_ =	shalt  }
0x80: {  	_ =	shalt  }
0x81: {  	_ =	shalt  }
0x82: {  	_ =	shalt  }
0x83: {  	_ =	shalt  }
0x84: {  	_ =	shalt  }
0x85: {  	_ =	shalt  }
0x86: {  	_ =	shalt  }
0x87: {  	_ =	shalt  }
.Lfunc_end0:
.L_simem_size_0:
called_computation_lowered:
.L_overlay_start_0:
0x88: {  	s2 =	sld [smem:$0x3FD9]  }
0x89: {  	s3 =	sld [smem:$0x3FFE];
	_ =	sdelay $0x1  }
0x8a: {  	s1 =	srdreg.scid  }
0x8b: {  	s0 =	sand.u32 $0x1, s1  }
0x8c: {  	s18 =	sshll.u32 s0, $0xA;
	s2 =	sadd.s32 s3, s2  }
0x8d: {  	s2 =	sadd.s32 s2, s18  }
0x8e: {  	[smem:$0x3FC3] =	sst s2  }
0x8f: {  	_ = 	snop  }
0x90: {  	s2 =	sld [smem:$0x3FC6]  }
0x91: {  	s19 =	sld [smem:$0x3FC5]  }
0x92: {  	s4 =	sld [smem:$0x3FD0];
	(tm) =	ssettm $0x1  }
0x93: {  	s5 =	sld [smem:$0x3FFB];
	_ =	sdelay $0x3  }
0x94: {  	_ =	strace s5  }
0x95: {  	s5 =	sld [smem:$0x3FFC];
	_ =	sdelay $0x3  }
0x96: {  	_ =	strace s5  }
0x97: {  	s5 =	sld [smem:$0x3FFD];
	_ =	sdelay $0x3  }
0x98: {  	_ =	strace s5  }
0x99: {  	_ =	strace $0x8FFFFFFF  }
0x9a: {  	s20 =	sld [smem:$0x3FDB];
	_ =	sdelay $0x1  }
0x9b: {  	s6 =	simm.s32 $_scs_section_size  }
0x9c: {  	s7 =	simm.s32 $_size__tile_overlayer_lowered;
	s8 =	simm.s32 $_tile_overlayer_lowered  }
0x9d: {  	s23 =	simm.s32 $0x1BFF;
	s22 =	sshll.u32 s8, $0x1;
	s5 =	sadd.s32 s6, s20  }
0x9e: {  	s9 =	simm.s32 $0x0;
	s21 =	sshll.u32 s7, $0x1;
	s7 =	sadd.s32 s22, s5  }
0x9f: {  	[timem:s9], [sflag:s23] =	dma.local [hbm:s7], s21  }
0xa0: {  	_ =	swait.ge [sflag:s23], s21  }
0xa1: {  	s6 =	ssub.s32 $0x0, s21;
	[sflag:s23] =	ssyncset.done $0x0  }
0xa2: {  	[sflag:s23] =	ssyncadd.s32 s6;
	_ =	sdelay $0x1  }
0xa3: {  	s24 =	simm.s32 $0x1B8B  }
0xa4: {  	_ =	swait.ge [sflag:s24], $0x1  }
0xa5: {  	[sflag:s24] =	ssyncset.done $0x0  }
0xa6: {  	s25 =	simm.s32 $0x1B8E;
	[sflag:s24] =	ssyncadd.s32 $0xFFFFFFFF  }
0xa7: {  	s26 =	simm.s32 $execute0_lowered;
	[smem:$0x3FD2] =	sst s25  }
0xa8: {  	s6 =	sshll.u32 s26, $0x1;
	_ =	strace $0x80000046;
	[dreg:$0x1] =	wrdreg $0xFFFFFFFF  }
0xa9: {  	s28 =	simm.s32 $_size_execute0_lowered;
	s5 =	sadd.s32 s5, s6;
	[dreg:$0x0] =	wrdreg $0x0  }
0xaa: {  	s6 =	sshll.u32 s28, $0x1;
	[dreg:$0x2] =	wrdreg s5  }
0xab: {  	[dreg:$0x3] =	wrdreg s6  }
0xac: {  	[dreg:$0x4] =	wrdreg $0xC0  }
0xad: {  	_ =	task [dreg:s9], $0x5FFFF  }
0xae: {  	[dreg:$0x1] =	wrdreg $0xFFFFFFFF  }
0xaf: {  	[dreg:$0x0] =	wrdreg $0x60  }
0xb0: {  	[dreg:$0x2] =	wrdreg s19  }
0xb1: {  	[dreg:$0x3] =	wrdreg s2  }
0xb2: {  	[dreg:$0x4] =	wrdreg s4  }
0xb3: {  	[dreg:$0x5] =	wrdreg $0x9  }
0xb4: {  	_ =	task.clear_ibuf [dreg:s9], $0x6FFFF;
	_ =	strace $0x90000046  }
0xb5: {  	s29 =	simm.s32 $0x9;
	_ =	strace $0x80000048  }
0xb6: {  	_ =	swait.ge [sflag:s29], $0x1  }
0xb7: {  	[sflag:s29] =	ssyncadd.s32 $0xFFFFFFFF  }
0xb8: {  	_ =	strace $0x90000048  }
0xb9: {  	_ =	sfence  }
0xba: {  	s30 =	sld [smem:$0x0];
	_ =	sdelay $0x2  }
0xbb: {  	s31 =	sshll.u32 s1, $0xD;
	s1 =	sshrl.u32 s1, $0x2  }
0xbc: {  	s3 =	sand.u32 $0x4000, s31;
	s1 =	sadd.s32 s1, s30  }
0xbd: {  	s0 =	sor.u32 s3, s0;
	s1 =	sshll.u32 s1, $0x11  }
0xbe: {  	s0 =	sor.u32 s1, s0  }
0xbf: {  	s0 =	sadd.s32 $0x8F2B, s0  }
0xc0: {  	[sflag:s0] =	ssyncadd.remote.s32 $0x1  }
0xc1: {  	_ =	sfence.sel $0xFFFF  }
0xc2: {  	[dreg:$0x0] =	wrdreg $0xFFFFFFFF;
	(pc) =	sbr.abs _section_cstart, $3  }
0xc3: {  	[dreg:$0x1] =	wrdreg $0xFFFFFFFF  }
0xc4: {  	_ =	task.clear_ibuf [dreg:s9], $0x2FFFF;
	_ =	strace $0x9FFFFFFF  }
0xc5: {  	(tm) =	ssettm $0x7FFFFFFF  }
tec
execute0_lowered:
.L_overlay_start_1:
0x0: {  	(tag) =	ssettag $0x1  }
0x1: {  	s1 =	rddreg [dreg:$0x0]  }
0x2: {  	s2 =	rddreg [dreg:$0x1];
	s0 =	srdreg.scid  }
0x3: {  	s6 =	rddreg [dreg:$0x2];
	s3 =	stileid.u32  }
0x4: {  	s4 =	sand.u32 $0x1, s0;
	s0 =	rddreg [dreg:$0x3];
	s8 =	sshll.u32 s3, $0x2  }
0x5: {  	s30 =	sshll.u32 s3, $0x6;
	s5 =	ssub.s32 $0x2, s4;
	s9 =	sshll.u32 s4, $0x1  }
0x6: {  	s4 =	simm.s32 $0x0;
	s11 =	sand.u32 $0x380, s30;
	s7 =	sshrl.u32 s5, $0x1  }
0x7: {  	s8 =	sor.u32 s9, s8;
	[smem:$0x7FF] =	sst s4;
	s7 =	ssub.s32 s5, s7  }
0x8: {  	s9 =	sshll.u32 s8, $0x4;
	s10 =	sor.u32 $0x1, s8;
	_ =	strace $0x80000047  }
0x9: {  	v0 =	vmov s8;
	s8 =	simm.s32 $0x1;
	s5 =	sadd.s32 s6, s9;
	s31 =	sshll.u32 s10, $0x4  }
0xa: {  	s6 =	sadd.s32 s6, s11;
	s7 =	smax.u32 s7, $0x1;
	s9 =	sand.u32 $0x70, s31  }
0xb: {  	v1 =	vmov s10;
	s10 =	simm.s32 $0x800;
	s6 =	sadd.s32 s9, s6;
	s9 =	simm.s32 $0x400  }
.LBB2_1:
0xc: {  	[tilespmem:s4], [sflag:$0x1] =	stream.linear.gather [hbm4b:s1+s4], $0x400, $0x38;
	[tilespmem:$0x880] =	vst v63  }
0xd: {  	_ =	swait.ge [sflag:s8], $0x400  }
0xe: {  	[sflag:s8] =	ssyncset.done $0x0  }
0xf: {  	[sflag:s8] =	ssyncadd.s32 $0xFFFFFC00  }
0x10: {  	[tilespmem:s9], [sflag:$0x1] =	stream.linear.gather [hbm4b:s2+s4], $0x400, $0x38;
	[tilespmem:$0x880] =	vst v63  }
0x11: {  	_ =	swait.ge [sflag:s8], $0x400  }
0x12: {  	[sflag:s8] =	ssyncset.done $0x0  }
0x13: {  	[sflag:s8] =	ssyncadd.s32 $0xFFFFFC00  }
0x14: {  	v4 =	vld [tilespmem:$0x0]  }
0x15: {  	v3 =	vld [tilespmem:$0x400]  }
0x16: {  	v5 =	vld [tilespmem:$0x80]  }
0x17: {  	v6 =	vld [tilespmem:$0x480]  }
0x18: {  	v7 =	vld [tilespmem:$0x100]  }
0x19: {  	v8 =	vld [tilespmem:$0x500]  }
0x1a: {  	v9 =	vld [tilespmem:$0x180]  }
0x1b: {  	v13 =	vld [tilespmem:$0x580]  }
0x1c: {  	v14 =	vld [tilespmem:$0x200]  }
0x1d: {  	v15 =	vld [tilespmem:$0x600]  }
0x1e: {  	v27 =	vld [tilespmem:$0x280]  }
0x1f: {  	v28 =	vld [tilespmem:$0x680]  }
0x20: {  	v29 =	vld [tilespmem:$0x300]  }
0x21: {  	v30 =	vld [tilespmem:$0x700]  }
0x22: {  	v31 =	vld [tilespmem:$0x380]  }
0x23: {  	v32 =	vld [tilespmem:$0x780]  }
0x24: {  	v11 =	vld [tilespmem:$0x10]  }
0x25: {  	v12 =	vld [tilespmem:$0x410]  }
0x26: {  	v33 =	vld [tilespmem:$0x90]  }
0x27: {  	v34 =	vld [tilespmem:$0x490]  }
0x28: {  	v35 =	vld [tilespmem:$0x110]  }
0x29: {  	v36 =	vld [tilespmem:$0x510]  }
0x2a: {  	v37 =	vld [tilespmem:$0x190]  }
0x2b: {  	v38 =	vld [tilespmem:$0x590]  }
0x2c: {  	v39 =	vld [tilespmem:$0x210]  }
0x2d: {  	v40 =	vld [tilespmem:$0x610]  }
0x2e: {  	v41 =	vld [tilespmem:$0x290]  }
0x2f: {  	v42 =	vld [tilespmem:$0x690]  }
0x30: {  	v43 =	vld [tilespmem:$0x310]  }
0x31: {  	v44 =	vld [tilespmem:$0x710]  }
0x32: {  	v45 =	vld [tilespmem:$0x390]  }
0x33: {  	v46 =	vld [tilespmem:$0x790]  }
0x34: {  	v47 =	vld [tilespmem:$0x20]  }
0x35: {  	v48 =	vld [tilespmem:$0x420]  }
0x36: {  	v49 =	vld [tilespmem:$0xA0]  }
0x37: {  	v50 =	vld [tilespmem:$0x4A0]  }
0x38: {  	v51 =	vld [tilespmem:$0x120]  }
0x39: {  	v52 =	vld [tilespmem:$0x520]  }
0x3a: {  	v53 =	vld [tilespmem:$0x1A0]  }
0x3b: {  	v54 =	vld [tilespmem:$0x5A0]  }
0x3c: {  	v55 =	vld [tilespmem:$0x220]  }
0x3d: {  	v56 =	vld [tilespmem:$0x620]  }
0x3e: {  	v57 =	vld [tilespmem:$0x2A0]  }
0x3f: {  	v24 =	vld [tilespmem:$0x6A0]  }
0x40: {  	v2 =	vld [tilespmem:$0x320]  }
0x41: {  	v58 =	vld [tilespmem:$0x30]  }
0x42: {  	v59 =	vld [tilespmem:$0x430]  }
0x43: {  	v60 =	vld [tilespmem:$0xB0]  }
0x44: {  	v61 =	vld [tilespmem:$0x4B0]  }
0x45: {  	v62 =	vld [tilespmem:$0x130]  }
0x46: {  	v63 =	vld [tilespmem:$0x530]  }
0x47: {  	v10 =	vld [tilespmem:$0x1B0]  }
0x48: {  	v16 =	vld [tilespmem:$0x5B0]  }
0x49: {  	v17 =	vld [tilespmem:$0x230]  }
0x4a: {  	v18 =	vld [tilespmem:$0x630]  }
0x4b: {  	v19 =	vld [tilespmem:$0x2B0]  }
0x4c: {  	v20 =	vld [tilespmem:$0x6B0]  }
0x4d: {  	v21 =	vld [tilespmem:$0x330]  }
0x4e: {  	v22 =	vld [tilespmem:$0x730]  }
0x4f: {  	v26 =	vld [tilespmem:$0x3B0]  }
0x50: {  	v23 =	vld [tilespmem:$0x7B0]  }
0x51: {  	[tilespmem:$0x1FF30] =	vst v2;
	v2 =	vld [tilespmem:$0x720]  }
0x52: {  	v25 =	vld [tilespmem:$0x440]  }
0x53: {  	vm1 =	veq.s32 v5, v0;
	v5 =	vld [tilespmem:$0x540]  }
0x54: {  	vm11 =	veq.s32 v11, v0;
	v11 =	vld [tilespmem:$0x5C0]  }
0x55: {  	vm2 =	veq.s32 v7, v0;
	v7 =	vld [tilespmem:$0x2C0]  }
0x56: {  	[tilespmem:$0x1FF40] =	vst v2;
	v2 =	vld [tilespmem:$0x3A0]  }
0x57: {  	vm4 =	veq.s32 v14, v0;
	v14 =	vld [tilespmem:$0x740]  }
0x58: {  	vm14 =	veq.s32 v9, v0;
	v9 =	vld [tilespmem:$0x3C0]  }
0x59: {  	vm8 =	veq.s32 v29, v0;
	v29 =	vld [tilespmem:$0x50]  }
0x5a: {  	vm15 =	veq.s32 v37, v0;
	v37 =	vld [tilespmem:$0x1D0]  }
0x5b: {  	[tilespmem:$0x1FF50] =	vst v2;
	v2 =	vld [tilespmem:$0x7A0]  }
0x5c: {  	vm7 =	veq.s32 v41, v0;
	v41 =	vld [tilespmem:$0x2D0]  }
0x5d: {  	vm13 =	veq.s32 v35, v0;
	vm10 =	veq.s32 v31, v0;
	v35 =	vnsel vm2, $0x0, v8;
	v8 =	vld [tilespmem:$0x340]  }
0x5e: {  	v31 =	vnsel vm10, $0x0, v32;
	v32 =	vld [tilespmem:$0x4D0]  }
0x5f: {  	v42 =	vnsel vm7, $0x0, v42;
	vm7 =	veq.s32 v10, v0;
	v10 =	vld [tilespmem:$0x6D0]  }
0x60: {  	vm6 =	veq.s32 v27, v0;
	[tilespmem:$0x1FF60] =	vst v2;
	v2 =	vld [tilespmem:$0x40]  }
0x61: {  	v12 =	vadd.f32 $0.0e+00, v12;
	v27 =	vnsel vm6, $0x0, v28;
	vm6 =	veq.s32 v53, v0;
	v53 =	vld [tilespmem:$0xE0]  }
0x62: {  	vm12 =	veq.s32 v33, v0;
	v30 =	vnsel vm8, $0x0, v30;
	vm8 =	veq.s32 v55, v0;
	v55 =	vld [tilespmem:$0x4E0]  }
0x63: {  	v38 =	vnsel vm15, $0x0, v38;
	vm15 =	veq.s32 v60, v0;
	v33 =	vnsel vm11, $0x0, v12;
	v12 =	vld [tilespmem:$0x640]  }
0x64: {  	v60 =	vnsel vm15, $0x0, v61;
	vm15 =	veq.s32 v26, v0;
	v26 =	vld [tilespmem:$0x160]  }
0x65: {  	v34 =	vnsel vm12, $0x0, v34;
	vm11 =	veq.s32 v45, v0;
	[tilespmem:$0x1FF70] =	vst v2;
	v2 =	vld [tilespmem:$0xC0]  }
0x66: {  	v33 =	vadd.f32 v34, v33;
	v34 =	vnsel vm13, $0x0, v36;
	v36 =	vnsel vm14, $0x0, v13;
	v13 =	vld [tilespmem:$0x6C0]  }
0x67: {  	v46 =	vnsel vm11, $0x0, v46;
	vm14 =	veq.s32 v58, v0;
	vm11 =	veq.s32 v19, v0;
	v58 =	vld [tilespmem:$0x560]  }
0x68: {  	v15 =	vnsel vm4, $0x0, v15;
	v20 =	vnsel vm11, $0x0, v20;
	vm11 =	veq.s32 v37, v0;
	v37 =	vld [tilespmem:$0x3E0]  }
0x69: {  	vm13 =	veq.s32 v49, v0;
	v23 =	vnsel vm15, $0x0, v23;
	vm15 =	veq.s32 v41, v0;
	v41 =	vld [tilespmem:$0x70]  }
0x6a: {  	vm4 =	veq.s32 v51, v0;
	v50 =	vnsel vm13, $0x0, v50;
	vm13 =	veq.s32 v21, v0;
	[tilespmem:$0x1FF80] =	vst v2;
	v2 =	vld [tilespmem:$0x4C0]  }
0x6b: {  	v61 =	vnsel vm4, $0x0, v52;
	v52 =	vnsel vm13, $0x0, v22;
	v22 =	vld [tilespmem:$0x770]  }
0x6c: {  	v45 =	vnsel vm8, $0x0, v56;
	v56 =	vld [tilespmem:$0x1FF70]  }
0x6d: {  	vm5 =	veq.s32 v39, v0;
	v49 =	vld [tilespmem:$0x1FF40]  }
0x6e: {  	v39 =	vnsel vm5, $0x0, v40;
	vm5 =	veq.s32 v62, v0;
	v51 =	vld [tilespmem:$0x1FF50]  }
0x6f: {  	v62 =	vnsel vm5, $0x0, v63;
	v63 =	vnsel vm6, $0x0, v54;
	v54 =	vld [tilespmem:$0x1FF60];
	[tilespmem:$0x1FF90] =	vst v2;
	v2 =	vadd.f32 $0.0e+00, v3  }
0x70: {  	vm0 =	veq.s32 v4, v0;
	vm10 =	veq.s32 v57, v0;
	v57 =	vld [tilespmem:$0x1FF80]  }
0x71: {  	v6 =	vnsel vm1, $0x0, v6;
	vm4 =	veq.s32 v56, v0;
	v56 =	vld [tilespmem:$0x270];
	v4 =	vnsel vm0, $0x0, v2  }
0x72: {  	v3 =	vld [tilespmem:$0x140];
	v4 =	vadd.f32 v6, v4  }
0x73: {  	v48 =	vadd.f32 $0.0e+00, v48;
	v59 =	vadd.f32 $0.0e+00, v59;
	v2 =	vld [tilespmem:$0x1C0]  }
0x74: {  	vm9 =	veq.s32 v43, v0;
	v6 =	vld [tilespmem:$0x240];
	v4 =	vadd.f32 v35, v4;
	v35 =	vadd.f32 v34, v33  }
0x75: {  	v25 =	vadd.f32 $0.0e+00, v25;
	v44 =	vnsel vm9, $0x0, v44;
	vm12 =	veq.s32 v47, v0;
	v34 =	vld [tilespmem:$0x150]  }
0x76: {  	vm9 =	veq.s32 v17, v0;
	v16 =	vnsel vm7, $0x0, v16;
	v33 =	vadd.f32 v38, v35;
	v35 =	vld [tilespmem:$0x5D0]  }
0x77: {  	v18 =	vnsel vm9, $0x0, v18;
	v24 =	vnsel vm10, $0x0, v24;
	v4 =	vadd.f32 v36, v4;
	v38 =	vld [tilespmem:$0x650]  }
0x78: {  	v25 =	vnsel vm4, $0x0, v25;
	vm4 =	veq.s32 v8, v0;
	v36 =	vnsel vm14, $0x0, v59;
	v59 =	vld [tilespmem:$0x1FF90]  }
0x79: {  	vm14 =	veq.s32 v51, v0;
	v51 =	vld [tilespmem:$0x170];
	v36 =	vadd.f32 v60, v36;
	v4 =	vadd.f32 v15, v4  }
0x7a: {  	vm6 =	veq.s32 v29, v0;
	v43 =	vnsel vm4, $0x0, v14;
	v60 =	vld [tilespmem:$0x1E0];
	v40 =	vadd.f32 v39, v33  }
0x7b: {  	vm8 =	veq.s32 v3, v0;
	v33 =	vld [tilespmem:$0x450];
	v36 =	vadd.f32 v62, v36;
	v4 =	vadd.f32 v27, v4  }
0x7c: {  	vm5 =	veq.s32 v57, v0;
	v5 =	vnsel vm8, $0x0, v5;
	v39 =	vld [tilespmem:$0x250];
	v27 =	vadd.f32 v42, v40  }
0x7d: {  	vm10 =	veq.s32 v2, v0;
	v62 =	vld [tilespmem:$0x260];
	v16 =	vadd.f32 v16, v36;
	v4 =	vadd.f32 v30, v4  }
0x7e: {  	v11 =	vnsel vm10, $0x0, v11;
	vm10 =	veq.s32 v41, v0;
	v30 =	vld [tilespmem:$0xD0];
	v28 =	vadd.f32 v44, v27  }
0x7f: {  	v44 =	vld [tilespmem:$0x470];
	v16 =	vadd.f32 v18, v16;
	v27 =	vadd.f32 v31, v4;
	v31 =	vnsel vm12, $0x0, v48  }
0x80: {  	v15 =	vld [tilespmem:$0x7C0];
	vm9 =	veq.s32 v34, v0;
	v33 =	vadd.f32 $0.0e+00, v33;
	v31 =	vadd.f32 v50, v31  }
0x81: {  	v36 =	vld [tilespmem:$0x3D0];
	vm13 =	veq.s32 v39, v0;
	v39 =	vnsel vm15, $0x0, v10;
	v16 =	vadd.f32 v20, v16  }
0x82: {  	v28 =	vadd.f32 v46, v28;
	v48 =	vld [tilespmem:$0x1FF30];
	vm4 =	veq.s32 v62, v0;
	v31 =	vadd.f32 v61, v31  }
0x83: {  	v4 =	vld [tilespmem:$0x550];
	v3 =	vnsel vm6, $0x0, v33;
	vm6 =	veq.s32 v9, v0;
	v16 =	vadd.f32 v52, v16  }
0x84: {  	v40 =	vld [tilespmem:$0x350];
	vm7 =	veq.s32 v30, v0;
	v8 =	vadd.f32 $0.0e+00, v44;
	v31 =	vadd.f32 v63, v31  }
0x85: {  	v50 =	vld [tilespmem:$0x460];
	v30 =	vnsel vm7, $0x0, v32;
	v32 =	vnsel vm11, $0x0, v35;
	v35 =	vnsel vm13, $0x0, v38  }
0x86: {  	v62 =	vld [tilespmem:$0x370];
	vm7 =	veq.s32 v36, v0;
	vm13 =	veq.s32 v51, v0;
	v31 =	vadd.f32 v45, v31  }
0x87: {  	v46 =	vld [tilespmem:$0x750];
	vm12 =	veq.s32 v48, v0;
	v16 =	vadd.f32 v23, v16;
	v3 =	vadd.f32 v30, v3  }
0x88: {  	v52 =	vld [tilespmem:$0x570];
	v2 =	vnsel vm9, $0x0, v4;
	vm9 =	veq.s32 v53, v0;
	v47 =	vadd.f32 v24, v31  }
0x89: {  	v18 =	vld [tilespmem:$0x7D0];
	v8 =	vnsel vm10, $0x0, v8;
	vm10 =	veq.s32 v37, v0;
	v31 =	vnsel vm12, $0x0, v49  }
0x8a: {  	v63 =	vld [tilespmem:$0x660];
	v50 =	vadd.f32 $0.0e+00, v50;
	v53 =	vnsel vm9, $0x0, v55;
	v19 =	vadd.f32 v31, v47  }
0x8b: {  	v33 =	vld [tilespmem:$0x360];
	vm9 =	veq.s32 v62, v0;
	v2 =	vadd.f32 v2, v3;
	v31 =	vnsel vm14, $0x0, v54  }
0x8c: {  	v24 =	vld [tilespmem:$0x60];
	v19 =	vadd.f32 v31, v19;
	v31 =	vnsel vm5, $0x0, v59;
	vm5 =	veq.s32 v40, v0  }
0x8d: {  	v29 =	vnsel vm9, $0x0, v22;
	v14 =	vnsel vm13, $0x0, v52;
	v45 =	vnsel vm5, $0x0, v46;
	v46 =	vld [tilespmem:$0xF0]  }
0x8e: {  	v48 =	vld [tilespmem:$0x4F0];
	vm12 =	veq.s32 v6, v0;
	v2 =	vadd.f32 v32, v2;
	v49 =	vnsel vm7, $0x0, v18  }
0x8f: {  	v61 =	vld [tilespmem:$0x5E0];
	v12 =	vnsel vm12, $0x0, v12;
	vm12 =	veq.s32 v26, v0;
	v63 =	vnsel vm4, $0x0, v63  }
0x90: {  	v55 =	vld [tilespmem:$0x5F0];
	vm14 =	veq.s32 v7, v0;
	v2 =	vadd.f32 v35, v2;
	v47 =	vnsel vm6, $0x0, v15  }
0x91: {  	v54 =	vld [tilespmem:$0x1F0];
	v57 =	vnsel vm12, $0x0, v58;
	v13 =	vnsel vm14, $0x0, v13;
	vm8 =	veq.s32 v24, v0  }
0x92: {  	v58 =	vld [tilespmem:$0x670];
	v25 =	vadd.f32 v31, v25;
	v15 =	vnsel vm8, $0x0, v50;
	vm11 =	veq.s32 v46, v0  }
0x93: {  	v2 =	vadd.f32 v39, v2;
	v59 =	vld [tilespmem:$0x2F0];
	v15 =	vadd.f32 v53, v15;
	v9 =	vnsel vm11, $0x0, v48  }
0x94: {  	vm14 =	veq.s32 v60, v0;
	v5 =	vadd.f32 v5, v25;
	v25 =	vld [tilespmem:$0x2E0];
	v8 =	vadd.f32 v9, v8  }
0x95: {  	v3 =	vld [tilespmem:$0x6E0];
	v60 =	vnsel vm14, $0x0, v61;
	vm5 =	veq.s32 v56, v0;
	v15 =	vadd.f32 v57, v15  }
0x96: {  	v61 =	vld [tilespmem:$0x6F0];
	vm15 =	veq.s32 v54, v0;
	v5 =	vadd.f32 v11, v5;
	v8 =	vadd.f32 v14, v8  }
0x97: {  	v34 =	vld [tilespmem:$0x760];
	v2 =	vadd.f32 v45, v2;
	v10 =	vnsel vm15, $0x0, v55;
	v15 =	vadd.f32 v60, v15  }
0x98: {  	v38 =	vld [tilespmem:$0x7E0];
	v24 =	vnsel vm5, $0x0, v58;
	v5 =	vadd.f32 v12, v5;
	v8 =	vadd.f32 v10, v8  }
0x99: {  	vm7 =	veq.s32 v59, v0;
	vm6 =	veq.s32 v25, v0;
	v25 =	vld [tilespmem:$0x3F0];
	v23 =	vadd.f32 v63, v15  }
0x9a: {  	v26 =	vld [tilespmem:$0x7F0];
	v5 =	vadd.f32 v13, v5;
	v3 =	vnsel vm6, $0x0, v3;
	v4 =	vadd.f32 v24, v8  }
0x9b: {  	[tilespmem:$0x800] =	vst v27;
	vm8 =	veq.s32 v33, v0;
	v27 =	vnsel vm7, $0x0, v61;
	v3 =	vadd.f32 v3, v23  }
0x9c: {  	[tilespmem:$0x810] =	vst v28;
	v6 =	vnsel vm8, $0x0, v34;
	v5 =	vadd.f32 v43, v5;
	v4 =	vadd.f32 v27, v4  }
0x9d: {  	[tilespmem:$0x830] =	vst v16;
	v7 =	vnsel vm10, $0x0, v38;
	v2 =	vadd.f32 v49, v2;
	v3 =	vadd.f32 v6, v3  }
0x9e: {  	[tilespmem:$0x820] =	vst v19;
	v5 =	vadd.f32 v47, v5;
	vm11 =	veq.s32 v25, v0;
	v4 =	vadd.f32 v29, v4  }
0x9f: {  	[tilespmem:$0x850] =	vst v2;
	v30 =	vnsel vm11, $0x0, v26;
	v3 =	vadd.f32 v7, v3  }
0xa0: {  	[tilespmem:$0x840] =	vst v5;
	v2 =	vadd.f32 v30, v4  }
0xa1: {  	[tilespmem:$0x860] =	vst v3  }
0xa2: {  	[tilespmem:$0x870] =	vst v2  }
0xa3: {  	[hbm4b:s5+s4] =	stream.linear.scatter [tilespmem:s10], [sflag:$0x1], $0x80, $0x38;
	[tilespmem:$0x880] =	vst v63  }
0xa4: {  	_ =	swait.ge [sflag:s8], $0x80  }
0xa5: {  	[sflag:s8] =	ssyncset.done $0x0  }
0xa6: {  	[sflag:s8] =	ssyncadd.s32 $0xFFFFFF80  }
0xa7: {  	v23 =	vld [tilespmem:$0x0]  }
0xa8: {  	v3 =	vld [tilespmem:$0x400]  }
0xa9: {  	v5 =	vld [tilespmem:$0x80]  }
0xaa: {  	v6 =	vld [tilespmem:$0x480]  }
0xab: {  	v7 =	vld [tilespmem:$0x100]  }
0xac: {  	v8 =	vld [tilespmem:$0x500]  }
0xad: {  	v11 =	vld [tilespmem:$0x180]  }
0xae: {  	v12 =	vld [tilespmem:$0x580]  }
0xaf: {  	v13 =	vld [tilespmem:$0x200]  }
0xb0: {  	v14 =	vld [tilespmem:$0x600]  }
0xb1: {  	v24 =	vld [tilespmem:$0x280]  }
0xb2: {  	v25 =	vld [tilespmem:$0x680]  }
0xb3: {  	v26 =	vld [tilespmem:$0x300]  }
0xb4: {  	v27 =	vld [tilespmem:$0x700]  }
0xb5: {  	v28 =	vld [tilespmem:$0x380]  }
0xb6: {  	v29 =	vld [tilespmem:$0x780]  }
0xb7: {  	v30 =	vld [tilespmem:$0x10]  }
0xb8: {  	v10 =	vld [tilespmem:$0x410]  }
0xb9: {  	v31 =	vld [tilespmem:$0x90]  }
0xba: {  	v32 =	vld [tilespmem:$0x490]  }
0xbb: {  	v33 =	vld [tilespmem:$0x110]  }
0xbc: {  	v34 =	vld [tilespmem:$0x510]  }
0xbd: {  	v35 =	vld [tilespmem:$0x190]  }
0xbe: {  	v36 =	vld [tilespmem:$0x590]  }
0xbf: {  	v37 =	vld [tilespmem:$0x210]  }
0xc0: {  	v38 =	vld [tilespmem:$0x610]  }
0xc1: {  	v39 =	vld [tilespmem:$0x290]  }
0xc2: {  	v40 =	vld [tilespmem:$0x690]  }
0xc3: {  	v41 =	vld [tilespmem:$0x310]  }
0xc4: {  	v42 =	vld [tilespmem:$0x710]  }
0xc5: {  	v43 =	vld [tilespmem:$0x390]  }
0xc6: {  	v44 =	vld [tilespmem:$0x790]  }
0xc7: {  	v45 =	vld [tilespmem:$0x20]  }
0xc8: {  	v46 =	vld [tilespmem:$0x420]  }
0xc9: {  	v47 =	vld [tilespmem:$0xA0]  }
0xca: {  	v48 =	vld [tilespmem:$0x4A0]  }
0xcb: {  	v49 =	vld [tilespmem:$0x120]  }
0xcc: {  	v50 =	vld [tilespmem:$0x520]  }
0xcd: {  	v51 =	vld [tilespmem:$0x1A0]  }
0xce: {  	v52 =	vld [tilespmem:$0x5A0]  }
0xcf: {  	v53 =	vld [tilespmem:$0x220]  }
0xd0: {  	v54 =	vld [tilespmem:$0x620]  }
0xd1: {  	v55 =	vld [tilespmem:$0x2A0]  }
0xd2: {  	v56 =	vld [tilespmem:$0x6A0]  }
0xd3: {  	v2 =	vld [tilespmem:$0x320]  }
0xd4: {  	v57 =	vld [tilespmem:$0x30]  }
0xd5: {  	v58 =	vld [tilespmem:$0x430]  }
0xd6: {  	v59 =	vld [tilespmem:$0xB0]  }
0xd7: {  	v60 =	vld [tilespmem:$0x4B0]  }
0xd8: {  	v61 =	vld [tilespmem:$0x130]  }
0xd9: {  	v62 =	vld [tilespmem:$0x530]  }
0xda: {  	v63 =	vld [tilespmem:$0x1B0]  }
0xdb: {  	v4 =	vld [tilespmem:$0x5B0]  }
0xdc: {  	v9 =	vld [tilespmem:$0x230]  }
0xdd: {  	v15 =	vld [tilespmem:$0x630]  }
0xde: {  	v16 =	vld [tilespmem:$0x2B0]  }
0xdf: {  	v17 =	vld [tilespmem:$0x6B0]  }
0xe0: {  	v19 =	vld [tilespmem:$0x330]  }
0xe1: {  	v21 =	vld [tilespmem:$0x730]  }
0xe2: {  	v20 =	vld [tilespmem:$0x3B0]  }
0xe3: {  	v22 =	vld [tilespmem:$0x40]  }
0xe4: {  	v18 =	vld [tilespmem:$0x440]  }
0xe5: {  	[tilespmem:$0x1FFA0] =	vst v2;
	v2 =	vld [tilespmem:$0x720]  }
0xe6: {  	vm12 =	veq.s32 v23, v1;
	v23 =	vld [tilespmem:$0x140]  }
0xe7: {  	vm13 =	veq.s32 v5, v1;
	v5 =	vld [tilespmem:$0x540]  }
0xe8: {  	vm15 =	veq.s32 v30, v1;
	v30 =	vld [tilespmem:$0x240]  }
0xe9: {  	vm5 =	veq.s32 v11, v1;
	v11 =	vld [tilespmem:$0x640]  }
0xea: {  	vm14 =	veq.s32 v7, v1;
	vm10 =	veq.s32 v37, v1;
	v37 =	vld [tilespmem:$0x1D0]  }
0xeb: {  	vm11 =	veq.s32 v26, v1;
	v7 =	vnsel vm14, $0x0, v8;
	v8 =	vadd.f32 $0.0e+00, v10;
	v10 =	vld [tilespmem:$0x5C0]  }
0xec: {  	v26 =	vnsel vm11, $0x0, v27;
	v27 =	vld [tilespmem:$0x50]  }
0xed: {  	v6 =	vnsel vm13, $0x0, v6;
	vm13 =	veq.s32 v28, v1;
	v28 =	vld [tilespmem:$0x450]  }
0xee: {  	vm14 =	veq.s32 v41, v1;
	v41 =	vld [tilespmem:$0x6D0]  }
0xef: {  	vm4 =	veq.s32 v31, v1;
	vm7 =	veq.s32 v13, v1;
	[tilespmem:$0x1FFB0] =	vst v2;
	v2 =	vld [tilespmem:$0x3A0]  }
0xf0: {  	vm9 =	veq.s32 v24, v1;
	v38 =	vnsel vm10, $0x0, v38;
	vm10 =	veq.s32 v61, v1;
	v61 =	vld [tilespmem:$0x1FFA0]  }
0xf1: {  	v32 =	vnsel vm4, $0x0, v32;
	v25 =	vnsel vm9, $0x0, v25;
	vm11 =	veq.s32 v53, v1;
	v53 =	vld [tilespmem:$0x5E0]  }
0xf2: {  	vm9 =	veq.s32 v51, v1;
	v42 =	vnsel vm14, $0x0, v42;
	vm14 =	veq.s32 v9, v1;
	v9 =	vld [tilespmem:$0x3D0]  }
0xf3: {  	v13 =	vnsel vm7, $0x0, v14;
	vm7 =	veq.s32 v57, v1;
	v57 =	vnsel vm9, $0x0, v52;
	v52 =	vld [tilespmem:$0x1E0]  }
0xf4: {  	v31 =	vnsel vm15, $0x0, v8;
	vm15 =	veq.s32 v43, v1;
	v43 =	vadd.f32 $0.0e+00, v46;
	[tilespmem:$0x1FFC0] =	vst v2;
	v2 =	vld [tilespmem:$0x7A0]  }
0xf5: {  	vm4 =	veq.s32 v45, v1;
	v8 =	vadd.f32 v32, v31;
	v32 =	vld [tilespmem:$0x550]  }
0xf6: {  	vm6 =	veq.s32 v33, v1;
	v45 =	vnsel vm4, $0x0, v43;
	vm4 =	veq.s32 v16, v1;
	v16 =	vld [tilespmem:$0x60]  }
0xf7: {  	v34 =	vnsel vm6, $0x0, v34;
	v43 =	vld [tilespmem:$0x460]  }
0xf8: {  	v8 =	vadd.f32 v34, v8;
	v34 =	vld [tilespmem:$0x150]  }
0xf9: {  	v12 =	vnsel vm5, $0x0, v12;
	vm5 =	veq.s32 v47, v1;
	[tilespmem:$0x1FFD0] =	vst v2;
	v2 =	vld [tilespmem:$0x7B0]  }
0xfa: {  	v47 =	vadd.f32 $0.0e+00, v58;
	v58 =	vnsel vm10, $0x0, v62;
	v46 =	vnsel vm5, $0x0, v48;
	v62 =	vld [tilespmem:$0x1FFB0]  }
0xfb: {  	vm8 =	veq.s32 v35, v1;
	v31 =	vadd.f32 v46, v45;
	v45 =	vld [tilespmem:$0xE0]  }
0xfc: {  	v35 =	vnsel vm8, $0x0, v36;
	v46 =	vld [tilespmem:$0x4E0]  }
0xfd: {  	v36 =	vadd.f32 v35, v8;
	v8 =	vld [tilespmem:$0x3C0]  }
0xfe: {  	[tilespmem:$0x1FFE0] =	vst v2;
	v2 =	vld [tilespmem:$0xC0]  }
0xff: {  	vm6 =	veq.s32 v49, v1;
	v24 =	vadd.f32 v38, v36;
	v36 =	vld [tilespmem:$0x250]  }
0x100: {  	vm8 =	veq.s32 v59, v1;
	v48 =	vnsel vm6, $0x0, v50;
	v51 =	vadd.f32 $0.0e+00, v28;
	v35 =	vld [tilespmem:$0x750]  }
0x101: {  	v59 =	vnsel vm11, $0x0, v54;
	vm11 =	veq.s32 v27, v1;
	v31 =	vadd.f32 v48, v31;
	v48 =	vld [tilespmem:$0x160]  }
0x102: {  	v54 =	vnsel vm11, $0x0, v51;
	v51 =	vld [tilespmem:$0x2F0]  }
0x103: {  	vm6 =	veq.s32 v19, v1;
	v38 =	vld [tilespmem:$0x5D0];
	[tilespmem:$0x1FFF0] =	vst v2;
	v2 =	vadd.f32 $0.0e+00, v3  }
0x104: {  	v21 =	vnsel vm6, $0x0, v21;
	vm6 =	veq.s32 v36, v1;
	v36 =	vld [tilespmem:$0xF0]  }
0x105: {  	v49 =	vnsel vm7, $0x0, v47;
	v47 =	vld [tilespmem:$0x1FFE0];
	v2 =	vnsel vm12, $0x0, v2  }
0x106: {  	v18 =	vadd.f32 $0.0e+00, v18;
	v3 =	vld [tilespmem:$0x4C0];
	v6 =	vadd.f32 v6, v2  }
0x107: {  	v50 =	vnsel vm8, $0x0, v60;
	v15 =	vnsel vm14, $0x0, v15;
	vm12 =	veq.s32 v39, v1;
	v2 =	vld [tilespmem:$0x1C0]  }
0x108: {  	v39 =	vnsel vm12, $0x0, v40;
	v40 =	vnsel vm13, $0x0, v29;
	v29 =	vld [tilespmem:$0xD0];
	v7 =	vadd.f32 v7, v6  }
0x109: {  	vm7 =	veq.s32 v20, v1;
	vm8 =	veq.s32 v22, v1;
	vm12 =	veq.s32 v63, v1;
	v63 =	vld [tilespmem:$0x1FFC0]  }
0x10a: {  	v44 =	vnsel vm15, $0x0, v44;
	vm13 =	veq.s32 v55, v1;
	v55 =	vld [tilespmem:$0x260];
	v33 =	vadd.f32 v12, v7  }
0x10b: {  	v18 =	vnsel vm8, $0x0, v18;
	vm10 =	veq.s32 v23, v1;
	vm15 =	veq.s32 v61, v1;
	v6 =	vld [tilespmem:$0x2C0]  }
0x10c: {  	v17 =	vnsel vm4, $0x0, v17;
	v31 =	vadd.f32 v57, v31;
	v14 =	vadd.f32 v13, v33;
	v33 =	vld [tilespmem:$0x4D0]  }
0x10d: {  	v5 =	vnsel vm10, $0x0, v5;
	vm4 =	veq.s32 v37, v1;
	vm11 =	veq.s32 v9, v1;
	v12 =	vld [tilespmem:$0x6C0]  }
0x10e: {  	vm14 =	veq.s32 v34, v1;
	v31 =	vadd.f32 v59, v31;
	v7 =	vld [tilespmem:$0x340];
	v25 =	vadd.f32 v25, v14  }
0x10f: {  	v4 =	vnsel vm12, $0x0, v4;
	v60 =	vnsel vm13, $0x0, v56;
	vm13 =	veq.s32 v2, v1;
	v2 =	vld [tilespmem:$0x660]  }
0x110: {  	vm12 =	veq.s32 v29, v1;
	v25 =	vadd.f32 v26, v25;
	v26 =	vadd.f32 v39, v24;
	v39 =	vld [tilespmem:$0x650]  }
0x111: {  	v59 =	vnsel vm4, $0x0, v38;
	v38 =	vadd.f32 $0.0e+00, v43;
	v56 =	vnsel vm12, $0x0, v33;
	v33 =	vld [tilespmem:$0x70]  }
0x112: {  	v57 =	vnsel vm14, $0x0, v32;
	v24 =	vadd.f32 v40, v25;
	v26 =	vadd.f32 v42, v26;
	v40 =	vld [tilespmem:$0x2D0]  }
0x113: {  	vm4 =	veq.s32 v48, v1;
	v10 =	vnsel vm13, $0x0, v10;
	vm13 =	veq.s32 v45, v1;
	v42 =	vld [tilespmem:$0x350]  }
0x114: {  	vm12 =	veq.s32 v16, v1;
	v25 =	vadd.f32 v44, v26;
	v26 =	vadd.f32 v50, v49;
	v49 =	vld [tilespmem:$0x1FFF0]  }
0x115: {  	vm5 =	veq.s32 v63, v1;
	v43 =	vnsel vm13, $0x0, v46;
	v9 =	vnsel vm12, $0x0, v38;
	v50 =	vld [tilespmem:$0x560]  }
0x116: {  	v63 =	vld [tilespmem:$0x470];
	v61 =	vnsel vm6, $0x0, v39;
	vm6 =	veq.s32 v52, v1;
	v26 =	vadd.f32 v58, v26  }
0x117: {  	v13 =	vld [tilespmem:$0x740];
	v9 =	vadd.f32 v43, v9;
	vm14 =	veq.s32 v33, v1;
	v52 =	vnsel vm6, $0x0, v53  }
0x118: {  	v45 =	vld [tilespmem:$0x5F0];
	vm8 =	veq.s32 v40, v1;
	vm10 =	veq.s32 v42, v1;
	v4 =	vadd.f32 v4, v26  }
0x119: {  	v14 =	vld [tilespmem:$0x7C0];
	v26 =	vadd.f32 v60, v31;
	v32 =	vnsel vm8, $0x0, v41;
	v37 =	vnsel vm10, $0x0, v35  }
0x11a: {  	v44 =	vld [tilespmem:$0x1FFD0];
	vm8 =	veq.s32 v55, v1;
	vm9 =	veq.s32 v49, v1;
	v48 =	vnsel vm4, $0x0, v50  }
0x11b: {  	v39 =	vld [tilespmem:$0x4F0];
	v2 =	vnsel vm8, $0x0, v2;
	v4 =	vadd.f32 v15, v4;
	v15 =	vnsel vm15, $0x0, v62  }
0x11c: {  	v53 =	vld [tilespmem:$0x6F0];
	v3 =	vnsel vm9, $0x0, v3;
	vm15 =	veq.s32 v30, v1;
	v9 =	vadd.f32 v48, v9  }
0x11d: {  	v31 =	vld [tilespmem:$0x7D0];
	vm9 =	veq.s32 v8, v1;
	v15 =	vadd.f32 v15, v26;
	v3 =	vadd.f32 v3, v18  }
0x11e: {  	v41 =	vld [tilespmem:$0x170];
	v58 =	vnsel vm15, $0x0, v11;
	v34 =	vnsel vm9, $0x0, v14;
	vm15 =	veq.s32 v36, v1  }
0x11f: {  	v55 =	vld [tilespmem:$0x370];
	v4 =	vadd.f32 v17, v4;
	v17 =	vnsel vm5, $0x0, v44;
	vm5 =	veq.s32 v6, v1  }
0x120: {  	v42 =	vld [tilespmem:$0x570];
	v46 =	vnsel vm15, $0x0, v39;
	v9 =	vadd.f32 v52, v9;
	v15 =	vadd.f32 v17, v15  }
0x121: {  	v49 =	vld [tilespmem:$0x670];
	v17 =	vnsel vm7, $0x0, v47;
	v3 =	vadd.f32 v5, v3;
	v5 =	vadd.f32 v56, v54  }
0x122: {  	v11 =	vld [tilespmem:$0x360];
	v60 =	vnsel vm5, $0x0, v12;
	vm7 =	veq.s32 v7, v1;
	v40 =	vnsel vm11, $0x0, v31  }
0x123: {  	v44 =	vld [tilespmem:$0x1F0];
	vm5 =	veq.s32 v41, v1;
	v62 =	vnsel vm7, $0x0, v13;
	v13 =	vadd.f32 $0.0e+00, v63  }
0x124: {  	v6 =	vld [tilespmem:$0x760];
	vm11 =	veq.s32 v51, v1;
	vm13 =	veq.s32 v55, v1;
	v4 =	vadd.f32 v21, v4  }
0x125: {  	v47 =	vld [tilespmem:$0x270];
	v3 =	vadd.f32 v10, v3;
	v5 =	vadd.f32 v57, v5;
	v13 =	vnsel vm14, $0x0, v13  }
0x126: {  	v50 =	vnsel vm5, $0x0, v42;
	v4 =	vadd.f32 v17, v4;
	v17 =	vld [tilespmem:$0x2E0];
	v10 =	vadd.f32 v46, v13  }
0x127: {  	v27 =	vld [tilespmem:$0x6E0];
	v2 =	vadd.f32 v2, v9;
	v8 =	vnsel vm11, $0x0, v53;
	vm12 =	veq.s32 v11, v1  }
0x128: {  	v12 =	vld [tilespmem:$0x3E0];
	v5 =	vadd.f32 v59, v5;
	vm7 =	veq.s32 v44, v1;
	v10 =	vadd.f32 v50, v10  }
0x129: {  	v56 =	vld [tilespmem:$0x770];
	v3 =	vadd.f32 v58, v3;
	v6 =	vnsel vm12, $0x0, v6;
	v54 =	vnsel vm7, $0x0, v45  }
0x12a: {  	v7 =	vld [tilespmem:$0x7E0];
	vm9 =	veq.s32 v47, v1;
	v5 =	vadd.f32 v61, v5;
	v10 =	vadd.f32 v54, v10  }
0x12b: {  	v58 =	vld [tilespmem:$0x3F0];
	v3 =	vadd.f32 v60, v3;
	v57 =	vnsel vm9, $0x0, v49;
	vm10 =	veq.s32 v17, v1  }
0x12c: {  	v60 =	vld [tilespmem:$0x7F0];
	v5 =	vadd.f32 v32, v5;
	v59 =	vnsel vm10, $0x0, v27;
	v9 =	vadd.f32 v57, v10  }
0x12d: {  	[tilespmem:$0x800] =	vst v24;
	vm14 =	veq.s32 v12, v1;
	v3 =	vadd.f32 v62, v3;
	v2 =	vadd.f32 v59, v2  }
0x12e: {  	[tilespmem:$0x810] =	vst v25;
	v61 =	vnsel vm13, $0x0, v56;
	v5 =	vadd.f32 v37, v5;
	v8 =	vadd.f32 v8, v9  }
0x12f: {  	[tilespmem:$0x820] =	vst v15;
	v63 =	vnsel vm14, $0x0, v7;
	v3 =	vadd.f32 v34, v3;
	v2 =	vadd.f32 v6, v2  }
0x130: {  	[tilespmem:$0x830] =	vst v4;
	vm15 =	veq.s32 v58, v1;
	v5 =	vadd.f32 v40, v5;
	v62 =	vadd.f32 v61, v8  }
0x131: {  	[tilespmem:$0x840] =	vst v3;
	v3 =	vnsel vm15, $0x0, v60;
	v2 =	vadd.f32 v63, v2  }
0x132: {  	[tilespmem:$0x850] =	vst v5;
	v3 =	vadd.f32 v3, v62  }
0x133: {  	p0 =	sne.s32 s7, $0x1;
	[tilespmem:$0x860] =	vst v2  }
.Ltmp0:
0x134: {  	[tilespmem:$0x870] =	vst v3;
	(pc) =	sbr.rel @p0 .LBB2_1-.Ltmp0, $4  }
0x135: {  	[hbm4b:s6+s4] =	stream.linear.scatter [tilespmem:s10], [sflag:$0x1], $0x80, $0x38;
	[tilespmem:$0x880] =	vst v63  }
0x136: {  	_ =	swait.ge [sflag:s8], $0x80  }
0x137: {  	[sflag:s8] =	ssyncset.done $0x0  }
0x138: {  	s7 =	sadd.s32 $0xFFFFFFFF, s7;
	[sflag:s8] =	ssyncadd.s32 $0xFFFFFF80  }
0x139: {  	_ =	sfence.sel $0x180000  }
0x13a: {  	[bflag:$0x0] =	sbarrier.arrive $0xFFFF  }
0x13b: {  	p0 =	sne.s32 s3, $0x0;
	_ =	strace $0x90000047  }
0x13c: {  	s0 =	sadd.s32 @!p0 $0x100000, s0;
	[bflag:$0x2] =	sbarrier.arrive $0xFFFF  }
0x13d: {  	[sflag:s0] =	ssyncadd.tile.s32 @!p0 $0x1;
	_ =	shalt  }
.Lfunc_end2:
_tile_overlayer_lowered:
.L_overlay_start_2:
0x13e: {  	(tag) =	ssettag $0x2  }
0x13f: {  	s0 =	rddreg [dreg:$0x0];
	s2 =	stileid.u32  }
0x140: {  	s1 =	rddreg [dreg:$0x1];
	p0 =	sne.s32 s2, $0x0  }
0x141: {  	s3 =	rddreg [dreg:$0x2];
	[bflag:$0x3] =	sbarrier.arrive $0xFFFF;
	s2 =	simm.s32 @!p0 $0x1C01  }
0x142: {  	[timem:s3], [sflag:s2] =	dma.local @!p0 [hbm:s0], s1  }
0x143: {  	s0 =	simm.s32 @!p0 $0x1  }
0x144: {  	_ =	swait.ge @!p0 [sflag:s0], s1  }
0x145: {  	s1 =	ssub.s32 @!p0 $0x0, s1;
	[sflag:s0] =	ssyncset.done @!p0 $0x0  }
0x146: {  	[sflag:s0] =	ssyncadd.s32 @!p0 s1  }
0x147: {  	[bflag:$0x3] =	sbarrier.arrive $0xFFFF  }
0x148: {  	_ =	shalt  }

</sc_bundles>
